<compile_context>
chip_gen: v7x
topology: tpu7x:2x2x1
jax: 0.10.2.dev20260603
libtpu: 0.0.44.dev20260713+nightly
codegen_flags: <defaults>
</compile_context>

<pallas_src>
import functools

import jax
import jax.numpy as jnp
from jax import lax
from jax.experimental import pallas as pl
from jax.experimental.pallas import tpu as pltpu
from jax.experimental.pallas import tpu_sc as plsc

VOCAB = 100000
IMG = 2048
HID = 128
TOTAL = VOCAB + IMG
PADDED = 102400

CH = 12800
GRID1 = 8

NTILES = 32
PER_TILE = PADDED // NTILES
CHUNK = 128
NCHUNK = PER_TILE // CHUNK


def _pass1_body(emb_ref, wh_ref, wo_ref, rs_ref, v_ref):
    rs_ref[...] = jnp.sum(emb_ref[...], axis=1)[None, :]
    v_ref[...] = jnp.dot(wo_ref[...], wh_ref[...],
                         preferred_element_type=jnp.float32)


def _sc_gather_dot(idx_hbm, vw_hbm, table_hbm, out_hbm,
                   idx_v, vw_v, rows_v, acc_v, sem, sem_i, sem_w):
    wid = lax.axis_index("s") * 2 + lax.axis_index("c")
    idx_c = pltpu.async_copy(idx_hbm.at[wid], idx_v, sem_i)
    vw_c = pltpu.async_copy(vw_hbm.at[wid], vw_v, sem_w)
    idx_c.wait()
    copies = [
        pltpu.async_copy(table_hbm.at[idx_v.at[j]], rows_v.at[j], sem)
        for j in range(NCHUNK)
    ]
    vw_c.wait()

    lane = lax.iota(jnp.int32, 16)
    acc = jnp.zeros((16,), jnp.float32)
    for j in range(NCHUNK):
        copies[j].wait()

        def body(g, a, j=j):
            pos = wid * PER_TILE + j * CHUNK + g * 16 + lane
            vals = rows_v[j, pl.ds(g * 16, 16)]
            w = vw_v[j, pl.ds(g * 16, 16)]
            w = jnp.where(pos < VOCAB, w, 0.0)
            return a + vals * w
        acc = lax.fori_loop(0, CHUNK // 16, body, acc)
    acc_v[...] = acc
    pltpu.sync_copy(acc_v, out_hbm.at[wid])


def _final_body(p_ref, vi_ref, img_ref, wo_ref, bh_ref, bo_ref, o_ref):
    word = jnp.sum(p_ref[...])
    img = jnp.sum(vi_ref[...] * img_ref[...])
    c = jnp.sum(wo_ref[...] * bh_ref[...]) + bo_ref[0, 0]
    x = word + img + c
    o_ref[...] = (1.0 / (1.0 + jnp.exp(-x))).reshape(1, 1)


def kernel(word_inputs, image_inputs, emb_table, W_h, b_h, W_o, b_o):
    rowsum2d, v2d = pl.pallas_call(
        _pass1_body,
        grid=(GRID1,),
        in_specs=[
            pl.BlockSpec((CH, HID), lambda i: (i, 0)),
            pl.BlockSpec((HID, CH), lambda i: (0, i)),
            pl.BlockSpec((1, HID), lambda i: (0, 0)),
        ],
        out_specs=[
            pl.BlockSpec((1, CH), lambda i: (0, i)),
            pl.BlockSpec((1, CH), lambda i: (0, i)),
        ],
        out_shape=[
            jax.ShapeDtypeStruct((1, PADDED), jnp.float32),
            jax.ShapeDtypeStruct((1, PADDED), jnp.float32),
        ],
    )(emb_table, W_h, W_o)
    rowsum = rowsum2d.reshape(PADDED)

    pad = PADDED - VOCAB
    idx_pad = jnp.concatenate(
        [word_inputs.astype(jnp.int32), jnp.zeros((pad,), jnp.int32)])
    idx3d = idx_pad.reshape(NTILES, NCHUNK, CHUNK)
    vw3d = v2d.reshape(NTILES, NCHUNK, CHUNK)
    v_img = lax.slice_in_dim(v2d.reshape(PADDED), VOCAB, TOTAL).reshape(1, IMG)

    mesh = plsc.VectorSubcoreMesh(core_axis_name="c", subcore_axis_name="s")
    partials = functools.partial(
        pl.kernel,
        mesh=mesh,
        out_type=jax.ShapeDtypeStruct((NTILES, 16), jnp.float32),
        scratch_types=[
            pltpu.VMEM((NCHUNK, CHUNK), jnp.int32),
            pltpu.VMEM((NCHUNK, CHUNK), jnp.float32),
            pltpu.VMEM((NCHUNK, CHUNK), jnp.float32),
            pltpu.VMEM((16,), jnp.float32),
            pltpu.SemaphoreType.DMA,
            pltpu.SemaphoreType.DMA,
            pltpu.SemaphoreType.DMA,
        ],
    )(_sc_gather_dot)(idx3d, vw3d, rowsum)

    out2d = pl.pallas_call(
        _final_body,
        out_shape=jax.ShapeDtypeStruct((1, 1), jnp.float32),
    )(partials, v_img, image_inputs.reshape(1, IMG), W_o,
      b_h.reshape(1, HID), b_o.reshape(1, 1))
    return out2d.reshape(1)

# --- scband reference (transcript-rebuilt; emitter-appended) ---
"""Pipeline reference for scband-cbow-55645596287605 (READ-ONLY COPY).

The authoritative reference and input builder live on the scoring server;
editing this copy changes nothing except your own understanding.
"""

import jax, jax.numpy as jnp
import numpy as np

VOCAB = 100000
IMG = 2048
HID = 128

def setup_inputs(seed: int = 0) -> dict:
    key = jax.random.key(seed)
    k1, k2, k3, k4, k5 = jax.random.split(key, 5)
    word_inputs = jax.random.randint(k1, (VOCAB,), 0, VOCAB)
    image_inputs = jax.random.normal(k2, (IMG,), dtype=jnp.float32)
    emb_table = jax.random.normal(k3, (VOCAB, HID), dtype=jnp.float32) * 0.02
    W_h = jax.random.normal(k4, (HID, VOCAB + IMG), dtype=jnp.float32) * 0.005
    b_h = jnp.zeros((HID,), dtype=jnp.float32)
    W_o = jax.random.normal(k5, (1, HID), dtype=jnp.float32) * 0.1
    b_o = jnp.zeros((1,), dtype=jnp.float32)
    return {"word_inputs": word_inputs, "image_inputs": image_inputs,
            "emb_table": emb_table, "W_h": W_h, "b_h": b_h, "W_o": W_o, "b_o": b_o}

def reference(word_inputs, image_inputs, emb_table, W_h, b_h, W_o, b_o):
    # embedding lookup: [L] -> [L, HID]
    emb = jnp.take(emb_table, word_inputs, axis=0)
    # torch.sum(embeddings, 1) on [L, HID] -> [L]
    bow = jnp.sum(emb, axis=1)
    # torch.cat along dim 0 of two 1-D tensors -> [L + IMG]
    input_hidden = jnp.concatenate((bow, image_inputs), axis=0)
    # Linear(vocab_size + image_feature_size, hidden): y = x @ W^T + b
    output_hidden = input_hidden @ W_h.T + b_h
    probability = jax.nn.sigmoid(output_hidden @ W_o.T + b_o)
    return probability

if __name__ == "__main__":
    import jax
    _d = setup_inputs()
    print(jax.jit(kernel)(*tuple(_d.values())))

</pallas_src>

<mosaic_0001>
#map = affine_map<(d0, d1) -> (0, 0, 0)>
#map1 = affine_map<(d0, d1) -> (0)>
#map2 = affine_map<(d0, d1) -> (0, 0)>
module attributes {stable_mosaic.version = 14 : i64} {
  func.func @_sc_gather_dot(%arg0: i32, %arg1: i32, %arg2: memref<32x25x128xi32, #tpu.memory_space<hbm>>, %arg3: memref<32x25x128xf32, #tpu.memory_space<hbm>>, %arg4: memref<102400xf32, #tpu.memory_space<hbm>>, %arg5: memref<32x16xf32, #tpu.memory_space<hbm>>, %arg6: memref<25x128xi32, #tpu.memory_space<vmem>>, %arg7: memref<25x128xf32, #tpu.memory_space<vmem>>, %arg8: memref<25x128xf32, #tpu.memory_space<vmem>>, %arg9: memref<16xf32, #tpu.memory_space<vmem>>, %arg10: memref<!tpu.dma_semaphore, #tpu.memory_space<semaphore_mem>>, %arg11: memref<!tpu.dma_semaphore, #tpu.memory_space<semaphore_mem>>, %arg12: memref<!tpu.dma_semaphore, #tpu.memory_space<semaphore_mem>>) attributes {dimension_semantics = [#tpu.dimension_semantics<core_parallel>, #tpu.dimension_semantics<subcore_parallel>], iteration_bounds = array<i64: 2, 16>, scalar_prefetch = 0 : i64, scratch_operands = 7 : i64, tpu.core_type = #tpu.core_type<sc_vector_subcore>, window_params = [{transform_indices = #map}, {transform_indices = #map}, {transform_indices = #map1}, {transform_indices = #map2}]} {
    %mul3A = arith.constant 2 : i32
    %mul3A_0 = arith.muli %arg1, %mul3A : i32
    %add3A = arith.addi %mul3A_0, %arg0 : i32
    %dma_start3A = arith.constant 0 : i32
    %dma_start3A_1 = arith.constant 0 : i32
    %dma_start3A_2 = tpu.memref_slice %arg2[%add3A, %dma_start3A, %dma_start3A_1] : memref<32x25x128xi32, #tpu.memory_space<hbm>> -> memref<1x25x128xi32, #tpu.memory_space<hbm>>
    %dma_start3A_3 = tpu.memref_squeeze %dma_start3A_2 : memref<1x25x128xi32, #tpu.memory_space<hbm>> -> memref<25x128xi32, #tpu.memory_space<hbm>>
    %dma_start3A_4 = arith.constant 0 : i32
    %dma_start3A_5 = arith.constant 0 : i32
    %dma_start3A_6 = tpu.memref_slice %arg2[%add3A, %dma_start3A_4, %dma_start3A_5] : memref<32x25x128xi32, #tpu.memory_space<hbm>> -> memref<1x25x128xi32, #tpu.memory_space<hbm>>
    %dma_start3A_7 = tpu.memref_squeeze %dma_start3A_6 : memref<1x25x128xi32, #tpu.memory_space<hbm>> -> memref<25x128xi32, #tpu.memory_space<hbm>>
    tpu.enqueue_dma source(%dma_start3A_7 : memref<25x128xi32, #tpu.memory_space<hbm>>) target(%arg6 : memref<25x128xi32, #tpu.memory_space<vmem>>) target_semaphore(%arg11 : memref<!tpu.dma_semaphore, #tpu.memory_space<semaphore_mem>>)
    %dma_start3A_8 = arith.constant 0 : i32
    %dma_start3A_9 = arith.constant 0 : i32
    %dma_start3A_10 = tpu.memref_slice %arg3[%add3A, %dma_start3A_8, %dma_start3A_9] : memref<32x25x128xf32, #tpu.memory_space<hbm>> -> memref<1x25x128xf32, #tpu.memory_space<hbm>>
    %dma_start3A_11 = tpu.memref_squeeze %dma_start3A_10 : memref<1x25x128xf32, #tpu.memory_space<hbm>> -> memref<25x128xf32, #tpu.memory_space<hbm>>
    %dma_start3A_12 = arith.constant 0 : i32
    %dma_start3A_13 = arith.constant 0 : i32
    %dma_start3A_14 = tpu.memref_slice %arg3[%add3A, %dma_start3A_12, %dma_start3A_13] : memref<32x25x128xf32, #tpu.memory_space<hbm>> -> memref<1x25x128xf32, #tpu.memory_space<hbm>>
    %dma_start3A_15 = tpu.memref_squeeze %dma_start3A_14 : memref<1x25x128xf32, #tpu.memory_space<hbm>> -> memref<25x128xf32, #tpu.memory_space<hbm>>
    tpu.enqueue_dma source(%dma_start3A_15 : memref<25x128xf32, #tpu.memory_space<hbm>>) target(%arg7 : memref<25x128xf32, #tpu.memory_space<vmem>>) target_semaphore(%arg12 : memref<!tpu.dma_semaphore, #tpu.memory_space<semaphore_mem>>)
    %dma_wait3A = arith.constant 0 : i32
    %dma_wait3A_16 = arith.constant 0 : i32
    %dma_wait3A_17 = tpu.memref_slice %arg2[%add3A, %dma_wait3A, %dma_wait3A_16] : memref<32x25x128xi32, #tpu.memory_space<hbm>> -> memref<1x25x128xi32, #tpu.memory_space<hbm>>
    %dma_wait3A_18 = tpu.memref_squeeze %dma_wait3A_17 : memref<1x25x128xi32, #tpu.memory_space<hbm>> -> memref<25x128xi32, #tpu.memory_space<hbm>>
    %dma_wait3A_19 = arith.constant 0 : i32
    %dma_wait3A_20 = arith.constant 0 : i32
    %dma_wait3A_21 = tpu.memref_slice %arg2[%add3A, %dma_wait3A_19, %dma_wait3A_20] : memref<32x25x128xi32, #tpu.memory_space<hbm>> -> memref<1x25x128xi32, #tpu.memory_space<hbm>>
    %dma_wait3A_22 = tpu.memref_squeeze %dma_wait3A_21 : memref<1x25x128xi32, #tpu.memory_space<hbm>> -> memref<25x128xi32, #tpu.memory_space<hbm>>
    tpu.wait_dma2 semaphore(%arg11 : memref<!tpu.dma_semaphore, #tpu.memory_space<semaphore_mem>>) src(%dma_wait3A_22 : memref<25x128xi32, #tpu.memory_space<hbm>>) dst(%arg6 : memref<25x128xi32, #tpu.memory_space<vmem>>)
    %dma_start3A_23 = arith.constant 0 : i32
    %dma_start3A_24 = arith.constant 0 : i32
    %dma_start3A_25 = arith.constant 0 : i32
    %dma_start3A_26 = tpu.memref_slice %arg8[%dma_start3A_24, %dma_start3A_25] : memref<25x128xf32, #tpu.memory_space<vmem>> -> memref<1x128xf32, #tpu.memory_space<vmem>>
    %dma_start3A_27 = tpu.memref_squeeze %dma_start3A_26 : memref<1x128xf32, #tpu.memory_space<vmem>> -> memref<128xf32, #tpu.memory_space<vmem>>
    %dma_start3A_28 = arith.constant 0 : i32
    %dma_start3A_29 = tpu.memref_slice %arg6[%dma_start3A_23, %dma_start3A_28] : memref<25x128xi32, #tpu.memory_space<vmem>> -> memref<1x128xi32, #tpu.memory_space<vmem>>
    %dma_start3A_30 = tpu.memref_squeeze %dma_start3A_29 : memref<1x128xi32, #tpu.memory_space<vmem>> -> memref<128xi32, #tpu.memory_space<vmem>>
    %dma_start3A_31 = arith.constant 0 : i32
    %dma_start3A_32 = tpu.memref_slice %arg4[%dma_start3A_31] : memref<102400xf32, #tpu.memory_space<hbm>> -> memref<102400xf32, #tpu.memory_space<hbm>>
    tpu.enqueue_indirect_dma source(%dma_start3A_32 : memref<102400xf32, #tpu.memory_space<hbm>>) target(%dma_start3A_27 : memref<128xf32, #tpu.memory_space<vmem>>) offsets(%dma_start3A_30 : memref<128xi32, #tpu.memory_space<vmem>>) semaphore(%arg10 : memref<!tpu.dma_semaphore, #tpu.memory_space<semaphore_mem>>)
    %dma_start3A_33 = arith.constant 1 : i32
    %dma_start3A_34 = arith.constant 1 : i32
    %dma_start3A_35 = arith.constant 0 : i32
    %dma_start3A_36 = tpu.memref_slice %arg8[%dma_start3A_34, %dma_start3A_35] : memref<25x128xf32, #tpu.memory_space<vmem>> -> memref<1x128xf32, #tpu.memory_space<vmem>>
    %dma_start3A_37 = tpu.memref_squeeze %dma_start3A_36 : memref<1x128xf32, #tpu.memory_space<vmem>> -> memref<128xf32, #tpu.memory_space<vmem>>
    %dma_start3A_38 = arith.constant 0 : i32
    %dma_start3A_39 = tpu.memref_slice %arg6[%dma_start3A_33, %dma_start3A_38] : memref<25x128xi32, #tpu.memory_space<vmem>> -> memref<1x128xi32, #tpu.memory_space<vmem>>
    %dma_start3A_40 = tpu.memref_squeeze %dma_start3A_39 : memref<1x128xi32, #tpu.memory_space<vmem>> -> memref<128xi32, #tpu.memory_space<vmem>>
    %dma_start3A_41 = arith.constant 0 : i32
    %dma_start3A_42 = tpu.memref_slice %arg4[%dma_start3A_41] : memref<102400xf32, #tpu.memory_space<hbm>> -> memref<102400xf32, #tpu.memory_space<hbm>>
    tpu.enqueue_indirect_dma source(%dma_start3A_42 : memref<102400xf32, #tpu.memory_space<hbm>>) target(%dma_start3A_37 : memref<128xf32, #tpu.memory_space<vmem>>) offsets(%dma_start3A_40 : memref<128xi32, #tpu.memory_space<vmem>>) semaphore(%arg10 : memref<!tpu.dma_semaphore, #tpu.memory_space<semaphore_mem>>)
    %dma_start3A_43 = arith.constant 2 : i32
    %dma_start3A_44 = arith.constant 2 : i32
    %dma_start3A_45 = arith.constant 0 : i32
    %dma_start3A_46 = tpu.memref_slice %arg8[%dma_start3A_44, %dma_start3A_45] : memref<25x128xf32, #tpu.memory_space<vmem>> -> memref<1x128xf32, #tpu.memory_space<vmem>>
    %dma_start3A_47 = tpu.memref_squeeze %dma_start3A_46 : memref<1x128xf32, #tpu.memory_space<vmem>> -> memref<128xf32, #tpu.memory_space<vmem>>
    %dma_start3A_48 = arith.constant 0 : i32
    %dma_start3A_49 = tpu.memref_slice %arg6[%dma_start3A_43, %dma_start3A_48] : memref<25x128xi32, #tpu.memory_space<vmem>> -> memref<1x128xi32, #tpu.memory_space<vmem>>
    %dma_start3A_50 = tpu.memref_squeeze %dma_start3A_49 : memref<1x128xi32, #tpu.memory_space<vmem>> -> memref<128xi32, #tpu.memory_space<vmem>>
    %dma_start3A_51 = arith.constant 0 : i32
    %dma_start3A_52 = tpu.memref_slice %arg4[%dma_start3A_51] : memref<102400xf32, #tpu.memory_space<hbm>> -> memref<102400xf32, #tpu.memory_space<hbm>>
    tpu.enqueue_indirect_dma source(%dma_start3A_52 : memref<102400xf32, #tpu.memory_space<hbm>>) target(%dma_start3A_47 : memref<128xf32, #tpu.memory_space<vmem>>) offsets(%dma_start3A_50 : memref<128xi32, #tpu.memory_space<vmem>>) semaphore(%arg10 : memref<!tpu.dma_semaphore, #tpu.memory_space<semaphore_mem>>)
    %dma_start3A_53 = arith.constant 3 : i32
    %dma_start3A_54 = arith.constant 3 : i32
    %dma_start3A_55 = arith.constant 0 : i32
    %dma_start3A_56 = tpu.memref_slice %arg8[%dma_start3A_54, %dma_start3A_55] : memref<25x128xf32, #tpu.memory_space<vmem>> -> memref<1x128xf32, #tpu.memory_space<vmem>>
    %dma_start3A_57 = tpu.memref_squeeze %dma_start3A_56 : memref<1x128xf32, #tpu.memory_space<vmem>> -> memref<128xf32, #tpu.memory_space<vmem>>
    %dma_start3A_58 = arith.constant 0 : i32
    %dma_start3A_59 = tpu.memref_slice %arg6[%dma_start3A_53, %dma_start3A_58] : memref<25x128xi32, #tpu.memory_space<vmem>> -> memref<1x128xi32, #tpu.memory_space<vmem>>
    %dma_start3A_60 = tpu.memref_squeeze %dma_start3A_59 : memref<1x128xi32, #tpu.memory_space<vmem>> -> memref<128xi32, #tpu.memory_space<vmem>>
    %dma_start3A_61 = arith.constant 0 : i32
    %dma_start3A_62 = tpu.memref_slice %arg4[%dma_start3A_61] : memref<102400xf32, #tpu.memory_space<hbm>> -> memref<102400xf32, #tpu.memory_space<hbm>>
    tpu.enqueue_indirect_dma source(%dma_start3A_62 : memref<102400xf32, #tpu.memory_space<hbm>>) target(%dma_start3A_57 : memref<128xf32, #tpu.memory_space<vmem>>) offsets(%dma_start3A_60 : memref<128xi32, #tpu.memory_space<vmem>>) semaphore(%arg10 : memref<!tpu.dma_semaphore, #tpu.memory_space<semaphore_mem>>)
    %dma_start3A_63 = arith.constant 4 : i32
    %dma_start3A_64 = arith.constant 4 : i32
    %dma_start3A_65 = arith.constant 0 : i32
    %dma_start3A_66 = tpu.memref_slice %arg8[%dma_start3A_64, %dma_start3A_65] : memref<25x128xf32, #tpu.memory_space<vmem>> -> memref<1x128xf32, #tpu.memory_space<vmem>>
    %dma_start3A_67 = tpu.memref_squeeze %dma_start3A_66 : memref<1x128xf32, #tpu.memory_space<vmem>> -> memref<128xf32, #tpu.memory_space<vmem>>
    %dma_start3A_68 = arith.constant 0 : i32
    %dma_start3A_69 = tpu.memref_slice %arg6[%dma_start3A_63, %dma_start3A_68] : memref<25x128xi32, #tpu.memory_space<vmem>> -> memref<1x128xi32, #tpu.memory_space<vmem>>
    %dma_start3A_70 = tpu.memref_squeeze %dma_start3A_69 : memref<1x128xi32, #tpu.memory_space<vmem>> -> memref<128xi32, #tpu.memory_space<vmem>>
    %dma_start3A_71 = arith.constant 0 : i32
    %dma_start3A_72 = tpu.memref_slice %arg4[%dma_start3A_71] : memref<102400xf32, #tpu.memory_space<hbm>> -> memref<102400xf32, #tpu.memory_space<hbm>>
    tpu.enqueue_indirect_dma source(%dma_start3A_72 : memref<102400xf32, #tpu.memory_space<hbm>>) target(%dma_start3A_67 : memref<128xf32, #tpu.memory_space<vmem>>) offsets(%dma_start3A_70 : memref<128xi32, #tpu.memory_space<vmem>>) semaphore(%arg10 : memref<!tpu.dma_semaphore, #tpu.memory_space<semaphore_mem>>)
    %dma_start3A_73 = arith.constant 5 : i32
    %dma_start3A_74 = arith.constant 5 : i32
    %dma_start3A_75 = arith.constant 0 : i32
    %dma_start3A_76 = tpu.memref_slice %arg8[%dma_start3A_74, %dma_start3A_75] : memref<25x128xf32, #tpu.memory_space<vmem>> -> memref<1x128xf32, #tpu.memory_space<vmem>>
    %dma_start3A_77 = tpu.memref_squeeze %dma_start3A_76 : memref<1x128xf32, #tpu.memory_space<vmem>> -> memref<128xf32, #tpu.memory_space<vmem>>
    %dma_start3A_78 = arith.constant 0 : i32
    %dma_start3A_79 = tpu.memref_slice %arg6[%dma_start3A_73, %dma_start3A_78] : memref<25x128xi32, #tpu.memory_space<vmem>> -> memref<1x128xi32, #tpu.memory_space<vmem>>
    %dma_start3A_80 = tpu.memref_squeeze %dma_start3A_79 : memref<1x128xi32, #tpu.memory_space<vmem>> -> memref<128xi32, #tpu.memory_space<vmem>>
    %dma_start3A_81 = arith.constant 0 : i32
    %dma_start3A_82 = tpu.memref_slice %arg4[%dma_start3A_81] : memref<102400xf32, #tpu.memory_space<hbm>> -> memref<102400xf32, #tpu.memory_space<hbm>>
    tpu.enqueue_indirect_dma source(%dma_start3A_82 : memref<102400xf32, #tpu.memory_space<hbm>>) target(%dma_start3A_77 : memref<128xf32, #tpu.memory_space<vmem>>) offsets(%dma_start3A_80 : memref<128xi32, #tpu.memory_space<vmem>>) semaphore(%arg10 : memref<!tpu.dma_semaphore, #tpu.memory_space<semaphore_mem>>)
    %dma_start3A_83 = arith.constant 6 : i32
    %dma_start3A_84 = arith.constant 6 : i32
    %dma_start3A_85 = arith.constant 0 : i32
    %dma_start3A_86 = tpu.memref_slice %arg8[%dma_start3A_84, %dma_start3A_85] : memref<25x128xf32, #tpu.memory_space<vmem>> -> memref<1x128xf32, #tpu.memory_space<vmem>>
    %dma_start3A_87 = tpu.memref_squeeze %dma_start3A_86 : memref<1x128xf32, #tpu.memory_space<vmem>> -> memref<128xf32, #tpu.memory_space<vmem>>
    %dma_start3A_88 = arith.constant 0 : i32
    %dma_start3A_89 = tpu.memref_slice %arg6[%dma_start3A_83, %dma_start3A_88] : memref<25x128xi32, #tpu.memory_space<vmem>> -> memref<1x128xi32, #tpu.memory_space<vmem>>
    %dma_start3A_90 = tpu.memref_squeeze %dma_start3A_89 : memref<1x128xi32, #tpu.memory_space<vmem>> -> memref<128xi32, #tpu.memory_space<vmem>>
    %dma_start3A_91 = arith.constant 0 : i32
    %dma_start3A_92 = tpu.memref_slice %arg4[%dma_start3A_91] : memref<102400xf32, #tpu.memory_space<hbm>> -> memref<102400xf32, #tpu.memory_space<hbm>>
    tpu.enqueue_indirect_dma source(%dma_start3A_92 : memref<102400xf32, #tpu.memory_space<hbm>>) target(%dma_start3A_87 : memref<128xf32, #tpu.memory_space<vmem>>) offsets(%dma_start3A_90 : memref<128xi32, #tpu.memory_space<vmem>>) semaphore(%arg10 : memref<!tpu.dma_semaphore, #tpu.memory_space<semaphore_mem>>)
    %dma_start3A_93 = arith.constant 7 : i32
    %dma_start3A_94 = arith.constant 7 : i32
    %dma_start3A_95 = arith.constant 0 : i32
    %dma_start3A_96 = tpu.memref_slice %arg8[%dma_start3A_94, %dma_start3A_95] : memref<25x128xf32, #tpu.memory_space<vmem>> -> memref<1x128xf32, #tpu.memory_space<vmem>>
    %dma_start3A_97 = tpu.memref_squeeze %dma_start3A_96 : memref<1x128xf32, #tpu.memory_space<vmem>> -> memref<128xf32, #tpu.memory_space<vmem>>
    %dma_start3A_98 = arith.constant 0 : i32
    %dma_start3A_99 = tpu.memref_slice %arg6[%dma_start3A_93, %dma_start3A_98] : memref<25x128xi32, #tpu.memory_space<vmem>> -> memref<1x128xi32, #tpu.memory_space<vmem>>
    %dma_start3A_100 = tpu.memref_squeeze %dma_start3A_99 : memref<1x128xi32, #tpu.memory_space<vmem>> -> memref<128xi32, #tpu.memory_space<vmem>>
    %dma_start3A_101 = arith.constant 0 : i32
    %dma_start3A_102 = tpu.memref_slice %arg4[%dma_start3A_101] : memref<102400xf32, #tpu.memory_space<hbm>> -> memref<102400xf32, #tpu.memory_space<hbm>>
    tpu.enqueue_indirect_dma source(%dma_start3A_102 : memref<102400xf32, #tpu.memory_space<hbm>>) target(%dma_start3A_97 : memref<128xf32, #tpu.memory_space<vmem>>) offsets(%dma_start3A_100 : memref<128xi32, #tpu.memory_space<vmem>>) semaphore(%arg10 : memref<!tpu.dma_semaphore, #tpu.memory_space<semaphore_mem>>)
    %dma_start3A_103 = arith.constant 8 : i32
    %dma_start3A_104 = arith.constant 8 : i32
    %dma_start3A_105 = arith.constant 0 : i32
    %dma_start3A_106 = tpu.memref_slice %arg8[%dma_start3A_104, %dma_start3A_105] : memref<25x128xf32, #tpu.memory_space<vmem>> -> memref<1x128xf32, #tpu.memory_space<vmem>>
    %dma_start3A_107 = tpu.memref_squeeze %dma_start3A_106 : memref<1x128xf32, #tpu.memory_space<vmem>> -> memref<128xf32, #tpu.memory_space<vmem>>
    %dma_start3A_108 = arith.constant 0 : i32
    %dma_start3A_109 = tpu.memref_slice %arg6[%dma_start3A_103, %dma_start3A_108] : memref<25x128xi32, #tpu.memory_space<vmem>> -> memref<1x128xi32, #tpu.memory_space<vmem>>
    %dma_start3A_110 = tpu.memref_squeeze %dma_start3A_109 : memref<1x128xi32, #tpu.memory_space<vmem>> -> memref<128xi32, #tpu.memory_space<vmem>>
    %dma_start3A_111 = arith.constant 0 : i32
    %dma_start3A_112 = tpu.memref_slice %arg4[%dma_start3A_111] : memref<102400xf32, #tpu.memory_space<hbm>> -> memref<102400xf32, #tpu.memory_space<hbm>>
    tpu.enqueue_indirect_dma source(%dma_start3A_112 : memref<102400xf32, #tpu.memory_space<hbm>>) target(%dma_start3A_107 : memref<128xf32, #tpu.memory_space<vmem>>) offsets(%dma_start3A_110 : memref<128xi32, #tpu.memory_space<vmem>>) semaphore(%arg10 : memref<!tpu.dma_semaphore, #tpu.memory_space<semaphore_mem>>)
    %dma_start3A_113 = arith.constant 9 : i32
    %dma_start3A_114 = arith.constant 9 : i32
    %dma_start3A_115 = arith.constant 0 : i32
    %dma_start3A_116 = tpu.memref_slice %arg8[%dma_start3A_114, %dma_start3A_115] : memref<25x128xf32, #tpu.memory_space<vmem>> -> memref<1x128xf32, #tpu.memory_space<vmem>>
    %dma_start3A_117 = tpu.memref_squeeze %dma_start3A_116 : memref<1x128xf32, #tpu.memory_space<vmem>> -> memref<128xf32, #tpu.memory_space<vmem>>
    %dma_start3A_118 = arith.constant 0 : i32
    %dma_start3A_119 = tpu.memref_slice %arg6[%dma_start3A_113, %dma_start3A_118] : memref<25x128xi32, #tpu.memory_space<vmem>> -> memref<1x128xi32, #tpu.memory_space<vmem>>
    %dma_start3A_120 = tpu.memref_squeeze %dma_start3A_119 : memref<1x128xi32, #tpu.memory_space<vmem>> -> memref<128xi32, #tpu.memory_space<vmem>>
    %dma_start3A_121 = arith.constant 0 : i32
    %dma_start3A_122 = tpu.memref_slice %arg4[%dma_start3A_121] : memref<102400xf32, #tpu.memory_space<hbm>> -> memref<102400xf32, #tpu.memory_space<hbm>>
    tpu.enqueue_indirect_dma source(%dma_start3A_122 : memref<102400xf32, #tpu.memory_space<hbm>>) target(%dma_start3A_117 : memref<128xf32, #tpu.memory_space<vmem>>) offsets(%dma_start3A_120 : memref<128xi32, #tpu.memory_space<vmem>>) semaphore(%arg10 : memref<!tpu.dma_semaphore, #tpu.memory_space<semaphore_mem>>)
    %dma_start3A_123 = arith.constant 10 : i32
    %dma_start3A_124 = arith.constant 10 : i32
    %dma_start3A_125 = arith.constant 0 : i32
    %dma_start3A_126 = tpu.memref_slice %arg8[%dma_start3A_124, %dma_start3A_125] : memref<25x128xf32, #tpu.memory_space<vmem>> -> memref<1x128xf32, #tpu.memory_space<vmem>>
    %dma_start3A_127 = tpu.memref_squeeze %dma_start3A_126 : memref<1x128xf32, #tpu.memory_space<vmem>> -> memref<128xf32, #tpu.memory_space<vmem>>
    %dma_start3A_128 = arith.constant 0 : i32
    %dma_start3A_129 = tpu.memref_slice %arg6[%dma_start3A_123, %dma_start3A_128] : memref<25x128xi32, #tpu.memory_space<vmem>> -> memref<1x128xi32, #tpu.memory_space<vmem>>
    %dma_start3A_130 = tpu.memref_squeeze %dma_start3A_129 : memref<1x128xi32, #tpu.memory_space<vmem>> -> memref<128xi32, #tpu.memory_space<vmem>>
    %dma_start3A_131 = arith.constant 0 : i32
    %dma_start3A_132 = tpu.memref_slice %arg4[%dma_start3A_131] : memref<102400xf32, #tpu.memory_space<hbm>> -> memref<102400xf32, #tpu.memory_space<hbm>>
    tpu.enqueue_indirect_dma source(%dma_start3A_132 : memref<102400xf32, #tpu.memory_space<hbm>>) target(%dma_start3A_127 : memref<128xf32, #tpu.memory_space<vmem>>) offsets(%dma_start3A_130 : memref<128xi32, #tpu.memory_space<vmem>>) semaphore(%arg10 : memref<!tpu.dma_semaphore, #tpu.memory_space<semaphore_mem>>)
    %dma_start3A_133 = arith.constant 11 : i32
    %dma_start3A_134 = arith.constant 11 : i32
    %dma_start3A_135 = arith.constant 0 : i32
    %dma_start3A_136 = tpu.memref_slice %arg8[%dma_start3A_134, %dma_start3A_135] : memref<25x128xf32, #tpu.memory_space<vmem>> -> memref<1x128xf32, #tpu.memory_space<vmem>>
    %dma_start3A_137 = tpu.memref_squeeze %dma_start3A_136 : memref<1x128xf32, #tpu.memory_space<vmem>> -> memref<128xf32, #tpu.memory_space<vmem>>
    %dma_start3A_138 = arith.constant 0 : i32
    %dma_start3A_139 = tpu.memref_slice %arg6[%dma_start3A_133, %dma_start3A_138] : memref<25x128xi32, #tpu.memory_space<vmem>> -> memref<1x128xi32, #tpu.memory_space<vmem>>
    %dma_start3A_140 = tpu.memref_squeeze %dma_start3A_139 : memref<1x128xi32, #tpu.memory_space<vmem>> -> memref<128xi32, #tpu.memory_space<vmem>>
    %dma_start3A_141 = arith.constant 0 : i32
    %dma_start3A_142 = tpu.memref_slice %arg4[%dma_start3A_141] : memref<102400xf32, #tpu.memory_space<hbm>> -> memref<102400xf32, #tpu.memory_space<hbm>>
    tpu.enqueue_indirect_dma source(%dma_start3A_142 : memref<102400xf32, #tpu.memory_space<hbm>>) target(%dma_start3A_137 : memref<128xf32, #tpu.memory_space<vmem>>) offsets(%dma_start3A_140 : memref<128xi32, #tpu.memory_space<vmem>>) semaphore(%arg10 : memref<!tpu.dma_semaphore, #tpu.memory_space<semaphore_mem>>)
    %dma_start3A_143 = arith.constant 12 : i32
    %dma_start3A_144 = arith.constant 12 : i32
    %dma_start3A_145 = arith.constant 0 : i32
    %dma_start3A_146 = tpu.memref_slice %arg8[%dma_start3A_144, %dma_start3A_145] : memref<25x128xf32, #tpu.memory_space<vmem>> -> memref<1x128xf32, #tpu.memory_space<vmem>>
    %dma_start3A_147 = tpu.memref_squeeze %dma_start3A_146 : memref<1x128xf32, #tpu.memory_space<vmem>> -> memref<128xf32, #tpu.memory_space<vmem>>
    %dma_start3A_148 = arith.constant 0 : i32
    %dma_start3A_149 = tpu.memref_slice %arg6[%dma_start3A_143, %dma_start3A_148] : memref<25x128xi32, #tpu.memory_space<vmem>> -> memref<1x128xi32, #tpu.memory_space<vmem>>
    %dma_start3A_150 = tpu.memref_squeeze %dma_start3A_149 : memref<1x128xi32, #tpu.memory_space<vmem>> -> memref<128xi32, #tpu.memory_space<vmem>>
    %dma_start3A_151 = arith.constant 0 : i32
    %dma_start3A_152 = tpu.memref_slice %arg4[%dma_start3A_151] : memref<102400xf32, #tpu.memory_space<hbm>> -> memref<102400xf32, #tpu.memory_space<hbm>>
    tpu.enqueue_indirect_dma source(%dma_start3A_152 : memref<102400xf32, #tpu.memory_space<hbm>>) target(%dma_start3A_147 : memref<128xf32, #tpu.memory_space<vmem>>) offsets(%dma_start3A_150 : memref<128xi32, #tpu.memory_space<vmem>>) semaphore(%arg10 : memref<!tpu.dma_semaphore, #tpu.memory_space<semaphore_mem>>)
    %dma_start3A_153 = arith.constant 13 : i32
    %dma_start3A_154 = arith.constant 13 : i32
    %dma_start3A_155 = arith.constant 0 : i32
    %dma_start3A_156 = tpu.memref_slice %arg8[%dma_start3A_154, %dma_start3A_155] : memref<25x128xf32, #tpu.memory_space<vmem>> -> memref<1x128xf32, #tpu.memory_space<vmem>>
    %dma_start3A_157 = tpu.memref_squeeze %dma_start3A_156 : memref<1x128xf32, #tpu.memory_space<vmem>> -> memref<128xf32, #tpu.memory_space<vmem>>
    %dma_start3A_158 = arith.constant 0 : i32
    %dma_start3A_159 = tpu.memref_slice %arg6[%dma_start3A_153, %dma_start3A_158] : memref<25x128xi32, #tpu.memory_space<vmem>> -> memref<1x128xi32, #tpu.memory_space<vmem>>
    %dma_start3A_160 = tpu.memref_squeeze %dma_start3A_159 : memref<1x128xi32, #tpu.memory_space<vmem>> -> memref<128xi32, #tpu.memory_space<vmem>>
    %dma_start3A_161 = arith.constant 0 : i32
    %dma_start3A_162 = tpu.memref_slice %arg4[%dma_start3A_161] : memref<102400xf32, #tpu.memory_space<hbm>> -> memref<102400xf32, #tpu.memory_space<hbm>>
    tpu.enqueue_indirect_dma source(%dma_start3A_162 : memref<102400xf32, #tpu.memory_space<hbm>>) target(%dma_start3A_157 : memref<128xf32, #tpu.memory_space<vmem>>) offsets(%dma_start3A_160 : memref<128xi32, #tpu.memory_space<vmem>>) semaphore(%arg10 : memref<!tpu.dma_semaphore, #tpu.memory_space<semaphore_mem>>)
    %dma_start3A_163 = arith.constant 14 : i32
    %dma_start3A_164 = arith.constant 14 : i32
    %dma_start3A_165 = arith.constant 0 : i32
    %dma_start3A_166 = tpu.memref_slice %arg8[%dma_start3A_164, %dma_start3A_165] : memref<25x128xf32, #tpu.memory_space<vmem>> -> memref<1x128xf32, #tpu.memory_space<vmem>>
    %dma_start3A_167 = tpu.memref_squeeze %dma_start3A_166 : memref<1x128xf32, #tpu.memory_space<vmem>> -> memref<128xf32, #tpu.memory_space<vmem>>
    %dma_start3A_168 = arith.constant 0 : i32
    %dma_start3A_169 = tpu.memref_slice %arg6[%dma_start3A_163, %dma_start3A_168] : memref<25x128xi32, #tpu.memory_space<vmem>> -> memref<1x128xi32, #tpu.memory_space<vmem>>
    %dma_start3A_170 = tpu.memref_squeeze %dma_start3A_169 : memref<1x128xi32, #tpu.memory_space<vmem>> -> memref<128xi32, #tpu.memory_space<vmem>>
    %dma_start3A_171 = arith.constant 0 : i32
    %dma_start3A_172 = tpu.memref_slice %arg4[%dma_start3A_171] : memref<102400xf32, #tpu.memory_space<hbm>> -> memref<102400xf32, #tpu.memory_space<hbm>>
    tpu.enqueue_indirect_dma source(%dma_start3A_172 : memref<102400xf32, #tpu.memory_space<hbm>>) target(%dma_start3A_167 : memref<128xf32, #tpu.memory_space<vmem>>) offsets(%dma_start3A_170 : memref<128xi32, #tpu.memory_space<vmem>>) semaphore(%arg10 : memref<!tpu.dma_semaphore, #tpu.memory_space<semaphore_mem>>)
    %dma_start3A_173 = arith.constant 15 : i32
    %dma_start3A_174 = arith.constant 15 : i32
    %dma_start3A_175 = arith.constant 0 : i32
    %dma_start3A_176 = tpu.memref_slice %arg8[%dma_start3A_174, %dma_start3A_175] : memref<25x128xf32, #tpu.memory_space<vmem>> -> memref<1x128xf32, #tpu.memory_space<vmem>>
    %dma_start3A_177 = tpu.memref_squeeze %dma_start3A_176 : memref<1x128xf32, #tpu.memory_space<vmem>> -> memref<128xf32, #tpu.memory_space<vmem>>
    %dma_start3A_178 = arith.constant 0 : i32
    %dma_start3A_179 = tpu.memref_slice %arg6[%dma_start3A_173, %dma_start3A_178] : memref<25x128xi32, #tpu.memory_space<vmem>> -> memref<1x128xi32, #tpu.memory_space<vmem>>
    %dma_start3A_180 = tpu.memref_squeeze %dma_start3A_179 : memref<1x128xi32, #tpu.memory_space<vmem>> -> memref<128xi32, #tpu.memory_space<vmem>>
    %dma_start3A_181 = arith.constant 0 : i32
    %dma_start3A_182 = tpu.memref_slice %arg4[%dma_start3A_181] : memref<102400xf32, #tpu.memory_space<hbm>> -> memref<102400xf32, #tpu.memory_space<hbm>>
    tpu.enqueue_indirect_dma source(%dma_start3A_182 : memref<102400xf32, #tpu.memory_space<hbm>>) target(%dma_start3A_177 : memref<128xf32, #tpu.memory_space<vmem>>) offsets(%dma_start3A_180 : memref<128xi32, #tpu.memory_space<vmem>>) semaphore(%arg10 : memref<!tpu.dma_semaphore, #tpu.memory_space<semaphore_mem>>)
    %dma_start3A_183 = arith.constant 16 : i32
    %dma_start3A_184 = arith.constant 16 : i32
    %dma_start3A_185 = arith.constant 0 : i32
    %dma_start3A_186 = tpu.memref_slice %arg8[%dma_start3A_184, %dma_start3A_185] : memref<25x128xf32, #tpu.memory_space<vmem>> -> memref<1x128xf32, #tpu.memory_space<vmem>>
    %dma_start3A_187 = tpu.memref_squeeze %dma_start3A_186 : memref<1x128xf32, #tpu.memory_space<vmem>> -> memref<128xf32, #tpu.memory_space<vmem>>
    %dma_start3A_188 = arith.constant 0 : i32
    %dma_start3A_189 = tpu.memref_slice %arg6[%dma_start3A_183, %dma_start3A_188] : memref<25x128xi32, #tpu.memory_space<vmem>> -> memref<1x128xi32, #tpu.memory_space<vmem>>
    %dma_start3A_190 = tpu.memref_squeeze %dma_start3A_189 : memref<1x128xi32, #tpu.memory_space<vmem>> -> memref<128xi32, #tpu.memory_space<vmem>>
    %dma_start3A_191 = arith.constant 0 : i32
    %dma_start3A_192 = tpu.memref_slice %arg4[%dma_start3A_191] : memref<102400xf32, #tpu.memory_space<hbm>> -> memref<102400xf32, #tpu.memory_space<hbm>>
    tpu.enqueue_indirect_dma source(%dma_start3A_192 : memref<102400xf32, #tpu.memory_space<hbm>>) target(%dma_start3A_187 : memref<128xf32, #tpu.memory_space<vmem>>) offsets(%dma_start3A_190 : memref<128xi32, #tpu.memory_space<vmem>>) semaphore(%arg10 : memref<!tpu.dma_semaphore, #tpu.memory_space<semaphore_mem>>)
    %dma_start3A_193 = arith.constant 17 : i32
    %dma_start3A_194 = arith.constant 17 : i32
    %dma_start3A_195 = arith.constant 0 : i32
    %dma_start3A_196 = tpu.memref_slice %arg8[%dma_start3A_194, %dma_start3A_195] : memref<25x128xf32, #tpu.memory_space<vmem>> -> memref<1x128xf32, #tpu.memory_space<vmem>>
    %dma_start3A_197 = tpu.memref_squeeze %dma_start3A_196 : memref<1x128xf32, #tpu.memory_space<vmem>> -> memref<128xf32, #tpu.memory_space<vmem>>
    %dma_start3A_198 = arith.constant 0 : i32
    %dma_start3A_199 = tpu.memref_slice %arg6[%dma_start3A_193, %dma_start3A_198] : memref<25x128xi32, #tpu.memory_space<vmem>> -> memref<1x128xi32, #tpu.memory_space<vmem>>
    %dma_start3A_200 = tpu.memref_squeeze %dma_start3A_199 : memref<1x128xi32, #tpu.memory_space<vmem>> -> memref<128xi32, #tpu.memory_space<vmem>>
    %dma_start3A_201 = arith.constant 0 : i32
    %dma_start3A_202 = tpu.memref_slice %arg4[%dma_start3A_201] : memref<102400xf32, #tpu.memory_space<hbm>> -> memref<102400xf32, #tpu.memory_space<hbm>>
    tpu.enqueue_indirect_dma source(%dma_start3A_202 : memref<102400xf32, #tpu.memory_space<hbm>>) target(%dma_start3A_197 : memref<128xf32, #tpu.memory_space<vmem>>) offsets(%dma_start3A_200 : memref<128xi32, #tpu.memory_space<vmem>>) semaphore(%arg10 : memref<!tpu.dma_semaphore, #tpu.memory_space<semaphore_mem>>)
    %dma_start3A_203 = arith.constant 18 : i32
    %dma_start3A_204 = arith.constant 18 : i32
    %dma_start3A_205 = arith.constant 0 : i32
    %dma_start3A_206 = tpu.memref_slice %arg8[%dma_start3A_204, %dma_start3A_205] : memref<25x128xf32, #tpu.memory_space<vmem>> -> memref<1x128xf32, #tpu.memory_space<vmem>>
    %dma_start3A_207 = tpu.memref_squeeze %dma_start3A_206 : memref<1x128xf32, #tpu.memory_space<vmem>> -> memref<128xf32, #tpu.memory_space<vmem>>
    %dma_start3A_208 = arith.constant 0 : i32
    %dma_start3A_209 = tpu.memref_slice %arg6[%dma_start3A_203, %dma_start3A_208] : memref<25x128xi32, #tpu.memory_space<vmem>> -> memref<1x128xi32, #tpu.memory_space<vmem>>
    %dma_start3A_210 = tpu.memref_squeeze %dma_start3A_209 : memref<1x128xi32, #tpu.memory_space<vmem>> -> memref<128xi32, #tpu.memory_space<vmem>>
    %dma_start3A_211 = arith.constant 0 : i32
    %dma_start3A_212 = tpu.memref_slice %arg4[%dma_start3A_211] : memref<102400xf32, #tpu.memory_space<hbm>> -> memref<102400xf32, #tpu.memory_space<hbm>>
    tpu.enqueue_indirect_dma source(%dma_start3A_212 : memref<102400xf32, #tpu.memory_space<hbm>>) target(%dma_start3A_207 : memref<128xf32, #tpu.memory_space<vmem>>) offsets(%dma_start3A_210 : memref<128xi32, #tpu.memory_space<vmem>>) semaphore(%arg10 : memref<!tpu.dma_semaphore, #tpu.memory_space<semaphore_mem>>)
    %dma_start3A_213 = arith.constant 19 : i32
    %dma_start3A_214 = arith.constant 19 : i32
    %dma_start3A_215 = arith.constant 0 : i32
    %dma_start3A_216 = tpu.memref_slice %arg8[%dma_start3A_214, %dma_start3A_215] : memref<25x128xf32, #tpu.memory_space<vmem>> -> memref<1x128xf32, #tpu.memory_space<vmem>>
    %dma_start3A_217 = tpu.memref_squeeze %dma_start3A_216 : memref<1x128xf32, #tpu.memory_space<vmem>> -> memref<128xf32, #tpu.memory_space<vmem>>
    %dma_start3A_218 = arith.constant 0 : i32
    %dma_start3A_219 = tpu.memref_slice %arg6[%dma_start3A_213, %dma_start3A_218] : memref<25x128xi32, #tpu.memory_space<vmem>> -> memref<1x128xi32, #tpu.memory_space<vmem>>
    %dma_start3A_220 = tpu.memref_squeeze %dma_start3A_219 : memref<1x128xi32, #tpu.memory_space<vmem>> -> memref<128xi32, #tpu.memory_space<vmem>>
    %dma_start3A_221 = arith.constant 0 : i32
    %dma_start3A_222 = tpu.memref_slice %arg4[%dma_start3A_221] : memref<102400xf32, #tpu.memory_space<hbm>> -> memref<102400xf32, #tpu.memory_space<hbm>>
    tpu.enqueue_indirect_dma source(%dma_start3A_222 : memref<102400xf32, #tpu.memory_space<hbm>>) target(%dma_start3A_217 : memref<128xf32, #tpu.memory_space<vmem>>) offsets(%dma_start3A_220 : memref<128xi32, #tpu.memory_space<vmem>>) semaphore(%arg10 : memref<!tpu.dma_semaphore, #tpu.memory_space<semaphore_mem>>)
    %dma_start3A_223 = arith.constant 20 : i32
    %dma_start3A_224 = arith.constant 20 : i32
    %dma_start3A_225 = arith.constant 0 : i32
    %dma_start3A_226 = tpu.memref_slice %arg8[%dma_start3A_224, %dma_start3A_225] : memref<25x128xf32, #tpu.memory_space<vmem>> -> memref<1x128xf32, #tpu.memory_space<vmem>>
    %dma_start3A_227 = tpu.memref_squeeze %dma_start3A_226 : memref<1x128xf32, #tpu.memory_space<vmem>> -> memref<128xf32, #tpu.memory_space<vmem>>
    %dma_start3A_228 = arith.constant 0 : i32
    %dma_start3A_229 = tpu.memref_slice %arg6[%dma_start3A_223, %dma_start3A_228] : memref<25x128xi32, #tpu.memory_space<vmem>> -> memref<1x128xi32, #tpu.memory_space<vmem>>
    %dma_start3A_230 = tpu.memref_squeeze %dma_start3A_229 : memref<1x128xi32, #tpu.memory_space<vmem>> -> memref<128xi32, #tpu.memory_space<vmem>>
    %dma_start3A_231 = arith.constant 0 : i32
    %dma_start3A_232 = tpu.memref_slice %arg4[%dma_start3A_231] : memref<102400xf32, #tpu.memory_space<hbm>> -> memref<102400xf32, #tpu.memory_space<hbm>>
    tpu.enqueue_indirect_dma source(%dma_start3A_232 : memref<102400xf32, #tpu.memory_space<hbm>>) target(%dma_start3A_227 : memref<128xf32, #tpu.memory_space<vmem>>) offsets(%dma_start3A_230 : memref<128xi32, #tpu.memory_space<vmem>>) semaphore(%arg10 : memref<!tpu.dma_semaphore, #tpu.memory_space<semaphore_mem>>)
    %dma_start3A_233 = arith.constant 21 : i32
    %dma_start3A_234 = arith.constant 21 : i32
    %dma_start3A_235 = arith.constant 0 : i32
    %dma_start3A_236 = tpu.memref_slice %arg8[%dma_start3A_234, %dma_start3A_235] : memref<25x128xf32, #tpu.memory_space<vmem>> -> memref<1x128xf32, #tpu.memory_space<vmem>>
    %dma_start3A_237 = tpu.memref_squeeze %dma_start3A_236 : memref<1x128xf32, #tpu.memory_space<vmem>> -> memref<128xf32, #tpu.memory_space<vmem>>
    %dma_start3A_238 = arith.constant 0 : i32
    %dma_start3A_239 = tpu.memref_slice %arg6[%dma_start3A_233, %dma_start3A_238] : memref<25x128xi32, #tpu.memory_space<vmem>> -> memref<1x128xi32, #tpu.memory_space<vmem>>
    %dma_start3A_240 = tpu.memref_squeeze %dma_start3A_239 : memref<1x128xi32, #tpu.memory_space<vmem>> -> memref<128xi32, #tpu.memory_space<vmem>>
    %dma_start3A_241 = arith.constant 0 : i32
    %dma_start3A_242 = tpu.memref_slice %arg4[%dma_start3A_241] : memref<102400xf32, #tpu.memory_space<hbm>> -> memref<102400xf32, #tpu.memory_space<hbm>>
    tpu.enqueue_indirect_dma source(%dma_start3A_242 : memref<102400xf32, #tpu.memory_space<hbm>>) target(%dma_start3A_237 : memref<128xf32, #tpu.memory_space<vmem>>) offsets(%dma_start3A_240 : memref<128xi32, #tpu.memory_space<vmem>>) semaphore(%arg10 : memref<!tpu.dma_semaphore, #tpu.memory_space<semaphore_mem>>)
    %dma_start3A_243 = arith.constant 22 : i32
    %dma_start3A_244 = arith.constant 22 : i32
    %dma_start3A_245 = arith.constant 0 : i32
    %dma_start3A_246 = tpu.memref_slice %arg8[%dma_start3A_244, %dma_start3A_245] : memref<25x128xf32, #tpu.memory_space<vmem>> -> memref<1x128xf32, #tpu.memory_space<vmem>>
    %dma_start3A_247 = tpu.memref_squeeze %dma_start3A_246 : memref<1x128xf32, #tpu.memory_space<vmem>> -> memref<128xf32, #tpu.memory_space<vmem>>
    %dma_start3A_248 = arith.constant 0 : i32
    %dma_start3A_249 = tpu.memref_slice %arg6[%dma_start3A_243, %dma_start3A_248] : memref<25x128xi32, #tpu.memory_space<vmem>> -> memref<1x128xi32, #tpu.memory_space<vmem>>
    %dma_start3A_250 = tpu.memref_squeeze %dma_start3A_249 : memref<1x128xi32, #tpu.memory_space<vmem>> -> memref<128xi32, #tpu.memory_space<vmem>>
    %dma_start3A_251 = arith.constant 0 : i32
    %dma_start3A_252 = tpu.memref_slice %arg4[%dma_start3A_251] : memref<102400xf32, #tpu.memory_space<hbm>> -> memref<102400xf32, #tpu.memory_space<hbm>>
    tpu.enqueue_indirect_dma source(%dma_start3A_252 : memref<102400xf32, #tpu.memory_space<hbm>>) target(%dma_start3A_247 : memref<128xf32, #tpu.memory_space<vmem>>) offsets(%dma_start3A_250 : memref<128xi32, #tpu.memory_space<vmem>>) semaphore(%arg10 : memref<!tpu.dma_semaphore, #tpu.memory_space<semaphore_mem>>)
    %dma_start3A_253 = arith.constant 23 : i32
    %dma_start3A_254 = arith.constant 23 : i32
    %dma_start3A_255 = arith.constant 0 : i32
    %dma_start3A_256 = tpu.memref_slice %arg8[%dma_start3A_254, %dma_start3A_255] : memref<25x128xf32, #tpu.memory_space<vmem>> -> memref<1x128xf32, #tpu.memory_space<vmem>>
    %dma_start3A_257 = tpu.memref_squeeze %dma_start3A_256 : memref<1x128xf32, #tpu.memory_space<vmem>> -> memref<128xf32, #tpu.memory_space<vmem>>
    %dma_start3A_258 = arith.constant 0 : i32
    %dma_start3A_259 = tpu.memref_slice %arg6[%dma_start3A_253, %dma_start3A_258] : memref<25x128xi32, #tpu.memory_space<vmem>> -> memref<1x128xi32, #tpu.memory_space<vmem>>
    %dma_start3A_260 = tpu.memref_squeeze %dma_start3A_259 : memref<1x128xi32, #tpu.memory_space<vmem>> -> memref<128xi32, #tpu.memory_space<vmem>>
    %dma_start3A_261 = arith.constant 0 : i32
    %dma_start3A_262 = tpu.memref_slice %arg4[%dma_start3A_261] : memref<102400xf32, #tpu.memory_space<hbm>> -> memref<102400xf32, #tpu.memory_space<hbm>>
    tpu.enqueue_indirect_dma source(%dma_start3A_262 : memref<102400xf32, #tpu.memory_space<hbm>>) target(%dma_start3A_257 : memref<128xf32, #tpu.memory_space<vmem>>) offsets(%dma_start3A_260 : memref<128xi32, #tpu.memory_space<vmem>>) semaphore(%arg10 : memref<!tpu.dma_semaphore, #tpu.memory_space<semaphore_mem>>)
    %dma_start3A_263 = arith.constant 24 : i32
    %dma_start3A_264 = arith.constant 24 : i32
    %dma_start3A_265 = arith.constant 0 : i32
    %dma_start3A_266 = tpu.memref_slice %arg8[%dma_start3A_264, %dma_start3A_265] : memref<25x128xf32, #tpu.memory_space<vmem>> -> memref<1x128xf32, #tpu.memory_space<vmem>>
    %dma_start3A_267 = tpu.memref_squeeze %dma_start3A_266 : memref<1x128xf32, #tpu.memory_space<vmem>> -> memref<128xf32, #tpu.memory_space<vmem>>
    %dma_start3A_268 = arith.constant 0 : i32
    %dma_start3A_269 = tpu.memref_slice %arg6[%dma_start3A_263, %dma_start3A_268] : memref<25x128xi32, #tpu.memory_space<vmem>> -> memref<1x128xi32, #tpu.memory_space<vmem>>
    %dma_start3A_270 = tpu.memref_squeeze %dma_start3A_269 : memref<1x128xi32, #tpu.memory_space<vmem>> -> memref<128xi32, #tpu.memory_space<vmem>>
    %dma_start3A_271 = arith.constant 0 : i32
    %dma_start3A_272 = tpu.memref_slice %arg4[%dma_start3A_271] : memref<102400xf32, #tpu.memory_space<hbm>> -> memref<102400xf32, #tpu.memory_space<hbm>>
    tpu.enqueue_indirect_dma source(%dma_start3A_272 : memref<102400xf32, #tpu.memory_space<hbm>>) target(%dma_start3A_267 : memref<128xf32, #tpu.memory_space<vmem>>) offsets(%dma_start3A_270 : memref<128xi32, #tpu.memory_space<vmem>>) semaphore(%arg10 : memref<!tpu.dma_semaphore, #tpu.memory_space<semaphore_mem>>)
    %dma_wait3A_273 = arith.constant 0 : i32
    %dma_wait3A_274 = arith.constant 0 : i32
    %dma_wait3A_275 = tpu.memref_slice %arg3[%add3A, %dma_wait3A_273, %dma_wait3A_274] : memref<32x25x128xf32, #tpu.memory_space<hbm>> -> memref<1x25x128xf32, #tpu.memory_space<hbm>>
    %dma_wait3A_276 = tpu.memref_squeeze %dma_wait3A_275 : memref<1x25x128xf32, #tpu.memory_space<hbm>> -> memref<25x128xf32, #tpu.memory_space<hbm>>
    %dma_wait3A_277 = arith.constant 0 : i32
    %dma_wait3A_278 = arith.constant 0 : i32
    %dma_wait3A_279 = tpu.memref_slice %arg3[%add3A, %dma_wait3A_277, %dma_wait3A_278] : memref<32x25x128xf32, #tpu.memory_space<hbm>> -> memref<1x25x128xf32, #tpu.memory_space<hbm>>
    %dma_wait3A_280 = tpu.memref_squeeze %dma_wait3A_279 : memref<1x25x128xf32, #tpu.memory_space<hbm>> -> memref<25x128xf32, #tpu.memory_space<hbm>>
    tpu.wait_dma2 semaphore(%arg12 : memref<!tpu.dma_semaphore, #tpu.memory_space<semaphore_mem>>) src(%dma_wait3A_280 : memref<25x128xf32, #tpu.memory_space<hbm>>) dst(%arg7 : memref<25x128xf32, #tpu.memory_space<vmem>>)
    %iota3A = tpu.iota {dimensions = array<i32: 0>} : vector<16xi32>
    %broadcast_in_dim3A = arith.constant 0.000000e+00 : f32
    %broadcast_in_dim3A_281 = vector.broadcast %broadcast_in_dim3A : f32 to vector<16xf32>
    %dma_wait3A_282 = arith.constant 0 : i32
    %dma_wait3A_283 = arith.constant 0 : i32
    %dma_wait3A_284 = arith.constant 0 : i32
    %dma_wait3A_285 = tpu.memref_slice %arg8[%dma_wait3A_283, %dma_wait3A_284] : memref<25x128xf32, #tpu.memory_space<vmem>> -> memref<1x128xf32, #tpu.memory_space<vmem>>
    %dma_wait3A_286 = tpu.memref_squeeze %dma_wait3A_285 : memref<1x128xf32, #tpu.memory_space<vmem>> -> memref<128xf32, #tpu.memory_space<vmem>>
    %dma_wait3A_287 = arith.constant 0 : i32
    %dma_wait3A_288 = tpu.memref_slice %arg6[%dma_wait3A_282, %dma_wait3A_287] : memref<25x128xi32, #tpu.memory_space<vmem>> -> memref<1x128xi32, #tpu.memory_space<vmem>>
    %dma_wait3A_289 = tpu.memref_squeeze %dma_wait3A_288 : memref<1x128xi32, #tpu.memory_space<vmem>> -> memref<128xi32, #tpu.memory_space<vmem>>
    %dma_wait3A_290 = arith.constant 0 : i32
    %dma_wait3A_291 = tpu.memref_slice %arg4[%dma_wait3A_290] : memref<102400xf32, #tpu.memory_space<hbm>> -> memref<102400xf32, #tpu.memory_space<hbm>>
    tpu.wait_indirect_dma semaphore(%arg10 : memref<!tpu.dma_semaphore, #tpu.memory_space<semaphore_mem>>) src(%dma_wait3A_291 : memref<102400xf32, #tpu.memory_space<hbm>>) dst(%dma_wait3A_286 : memref<128xf32, #tpu.memory_space<vmem>>)
    %scan3A = arith.constant 0 : i32
    %scan3A_292 = arith.constant 8 : i32
    %scan3A_293 = arith.addi %scan3A, %scan3A_292 : i32
    %scan3A_294 = arith.constant 1 : i32
    %scan3A_295 = scf.for %scan3A_684 = %scan3A to %scan3A_293 step %scan3A_294 iter_args(%scan3A_685 = %broadcast_in_dim3A_281) -> (vector<16xf32>)  : i32 {
      %mul3A_686 = arith.constant 3200 : i32
      %mul3A_687 = arith.muli %add3A, %mul3A_686 : i32
      %add3A_688 = arith.constant 0 : i32
      %add3A_689 = arith.addi %mul3A_687, %add3A_688 : i32
      %mul3A_690 = arith.constant 16 : i32
      %mul3A_691 = arith.muli %scan3A_684, %mul3A_690 : i32
      %add3A_692 = arith.addi %add3A_689, %mul3A_691 : i32
      %add3A_693 = vector.broadcast %add3A_692 : i32 to vector<16xi32>
      %add3A_694 = arith.addi %add3A_693, %iota3A : vector<16xi32>
      %mul3A_695 = arith.constant 16 : i32
      %mul3A_696 = arith.muli %scan3A_684, %mul3A_695 : i32
      %get3A = arith.constant 0 : i32
      %get3A_697 = arith.index_cast %get3A : i32 to index
      %get3A_698 = arith.index_cast %mul3A_696 : i32 to index
      %get3A_699 = tpu.vector_load %arg8[%get3A_697, %get3A_698] {strides = array<i32>} : memref<25x128xf32, #tpu.memory_space<vmem>>, vector<1x16xf32>,
      %get3A_700 = vector.shape_cast %get3A_699 : vector<1x16xf32> to vector<16xf32>
      %mul3A_701 = arith.constant 16 : i32
      %mul3A_702 = arith.muli %scan3A_684, %mul3A_701 : i32
      %get3A_703 = arith.constant 0 : i32
      %get3A_704 = arith.index_cast %get3A_703 : i32 to index
      %get3A_705 = arith.index_cast %mul3A_702 : i32 to index
      %get3A_706 = tpu.vector_load %arg7[%get3A_704, %get3A_705] {strides = array<i32>} : memref<25x128xf32, #tpu.memory_space<vmem>>, vector<1x16xf32>,
      %get3A_707 = vector.shape_cast %get3A_706 : vector<1x16xf32> to vector<16xf32>
      %lt3A = arith.constant 100000 : i32
      %lt3A_708 = vector.broadcast %lt3A : i32 to vector<16xi32>
      %lt3A_709 = arith.cmpi slt, %add3A_694, %lt3A_708 : vector<16xi32>
      %jit3A = arith.constant 0.000000e+00 : f32
      %broadcast_in_dim3A_710 = vector.broadcast %jit3A : f32 to vector<16xf32>
      %select_n3A = arith.select %lt3A_709, %get3A_707, %broadcast_in_dim3A_710 : vector<16xi1>, vector<16xf32>
      %mul3A_711 = arith.mulf %get3A_700, %select_n3A : vector<16xf32>
      %add3A_712 = arith.addf %scan3A_685, %mul3A_711 : vector<16xf32>
      scf.yield %add3A_712 : vector<16xf32>
    }
    %scan3A_296 = arith.constant 8 : i32
    %dma_wait3A_297 = arith.constant 1 : i32
    %dma_wait3A_298 = arith.constant 1 : i32
    %dma_wait3A_299 = arith.constant 0 : i32
    %dma_wait3A_300 = tpu.memref_slice %arg8[%dma_wait3A_298, %dma_wait3A_299] : memref<25x128xf32, #tpu.memory_space<vmem>> -> memref<1x128xf32, #tpu.memory_space<vmem>>
    %dma_wait3A_301 = tpu.memref_squeeze %dma_wait3A_300 : memref<1x128xf32, #tpu.memory_space<vmem>> -> memref<128xf32, #tpu.memory_space<vmem>>
    %dma_wait3A_302 = arith.constant 0 : i32
    %dma_wait3A_303 = tpu.memref_slice %arg6[%dma_wait3A_297, %dma_wait3A_302] : memref<25x128xi32, #tpu.memory_space<vmem>> -> memref<1x128xi32, #tpu.memory_space<vmem>>
    %dma_wait3A_304 = tpu.memref_squeeze %dma_wait3A_303 : memref<1x128xi32, #tpu.memory_space<vmem>> -> memref<128xi32, #tpu.memory_space<vmem>>
    %dma_wait3A_305 = arith.constant 0 : i32
    %dma_wait3A_306 = tpu.memref_slice %arg4[%dma_wait3A_305] : memref<102400xf32, #tpu.memory_space<hbm>> -> memref<102400xf32, #tpu.memory_space<hbm>>
    tpu.wait_indirect_dma semaphore(%arg10 : memref<!tpu.dma_semaphore, #tpu.memory_space<semaphore_mem>>) src(%dma_wait3A_306 : memref<102400xf32, #tpu.memory_space<hbm>>) dst(%dma_wait3A_301 : memref<128xf32, #tpu.memory_space<vmem>>)
    %scan3A_307 = arith.constant 0 : i32
    %scan3A_308 = arith.constant 8 : i32
    %scan3A_309 = arith.addi %scan3A_307, %scan3A_308 : i32
    %scan3A_310 = arith.constant 1 : i32
    %scan3A_311 = scf.for %scan3A_684 = %scan3A_307 to %scan3A_309 step %scan3A_310 iter_args(%scan3A_685 = %scan3A_295) -> (vector<16xf32>)  : i32 {
      %mul3A_686 = arith.constant 3200 : i32
      %mul3A_687 = arith.muli %add3A, %mul3A_686 : i32
      %add3A_688 = arith.constant 128 : i32
      %add3A_689 = arith.addi %mul3A_687, %add3A_688 : i32
      %mul3A_690 = arith.constant 16 : i32
      %mul3A_691 = arith.muli %scan3A_684, %mul3A_690 : i32
      %add3A_692 = arith.addi %add3A_689, %mul3A_691 : i32
      %add3A_693 = vector.broadcast %add3A_692 : i32 to vector<16xi32>
      %add3A_694 = arith.addi %add3A_693, %iota3A : vector<16xi32>
      %mul3A_695 = arith.constant 16 : i32
      %mul3A_696 = arith.muli %scan3A_684, %mul3A_695 : i32
      %get3A = arith.constant 1 : i32
      %get3A_697 = arith.index_cast %get3A : i32 to index
      %get3A_698 = arith.index_cast %mul3A_696 : i32 to index
      %get3A_699 = tpu.vector_load %arg8[%get3A_697, %get3A_698] {strides = array<i32>} : memref<25x128xf32, #tpu.memory_space<vmem>>, vector<1x16xf32>,
      %get3A_700 = vector.shape_cast %get3A_699 : vector<1x16xf32> to vector<16xf32>
      %mul3A_701 = arith.constant 16 : i32
      %mul3A_702 = arith.muli %scan3A_684, %mul3A_701 : i32
      %get3A_703 = arith.constant 1 : i32
      %get3A_704 = arith.index_cast %get3A_703 : i32 to index
      %get3A_705 = arith.index_cast %mul3A_702 : i32 to index
      %get3A_706 = tpu.vector_load %arg7[%get3A_704, %get3A_705] {strides = array<i32>} : memref<25x128xf32, #tpu.memory_space<vmem>>, vector<1x16xf32>,
      %get3A_707 = vector.shape_cast %get3A_706 : vector<1x16xf32> to vector<16xf32>
      %lt3A = arith.constant 100000 : i32
      %lt3A_708 = vector.broadcast %lt3A : i32 to vector<16xi32>
      %lt3A_709 = arith.cmpi slt, %add3A_694, %lt3A_708 : vector<16xi32>
      %jit3A = arith.constant 0.000000e+00 : f32
      %broadcast_in_dim3A_710 = vector.broadcast %jit3A : f32 to vector<16xf32>
      %select_n3A = arith.select %lt3A_709, %get3A_707, %broadcast_in_dim3A_710 : vector<16xi1>, vector<16xf32>
      %mul3A_711 = arith.mulf %get3A_700, %select_n3A : vector<16xf32>
      %add3A_712 = arith.addf %scan3A_685, %mul3A_711 : vector<16xf32>
      scf.yield %add3A_712 : vector<16xf32>
    }
    %scan3A_312 = arith.constant 8 : i32
    %dma_wait3A_313 = arith.constant 2 : i32
    %dma_wait3A_314 = arith.constant 2 : i32
    %dma_wait3A_315 = arith.constant 0 : i32
    %dma_wait3A_316 = tpu.memref_slice %arg8[%dma_wait3A_314, %dma_wait3A_315] : memref<25x128xf32, #tpu.memory_space<vmem>> -> memref<1x128xf32, #tpu.memory_space<vmem>>
    %dma_wait3A_317 = tpu.memref_squeeze %dma_wait3A_316 : memref<1x128xf32, #tpu.memory_space<vmem>> -> memref<128xf32, #tpu.memory_space<vmem>>
    %dma_wait3A_318 = arith.constant 0 : i32
    %dma_wait3A_319 = tpu.memref_slice %arg6[%dma_wait3A_313, %dma_wait3A_318] : memref<25x128xi32, #tpu.memory_space<vmem>> -> memref<1x128xi32, #tpu.memory_space<vmem>>
    %dma_wait3A_320 = tpu.memref_squeeze %dma_wait3A_319 : memref<1x128xi32, #tpu.memory_space<vmem>> -> memref<128xi32, #tpu.memory_space<vmem>>
    %dma_wait3A_321 = arith.constant 0 : i32
    %dma_wait3A_322 = tpu.memref_slice %arg4[%dma_wait3A_321] : memref<102400xf32, #tpu.memory_space<hbm>> -> memref<102400xf32, #tpu.memory_space<hbm>>
    tpu.wait_indirect_dma semaphore(%arg10 : memref<!tpu.dma_semaphore, #tpu.memory_space<semaphore_mem>>) src(%dma_wait3A_322 : memref<102400xf32, #tpu.memory_space<hbm>>) dst(%dma_wait3A_317 : memref<128xf32, #tpu.memory_space<vmem>>)
    %scan3A_323 = arith.constant 0 : i32
    %scan3A_324 = arith.constant 8 : i32
    %scan3A_325 = arith.addi %scan3A_323, %scan3A_324 : i32
    %scan3A_326 = arith.constant 1 : i32
    %scan3A_327 = scf.for %scan3A_684 = %scan3A_323 to %scan3A_325 step %scan3A_326 iter_args(%scan3A_685 = %scan3A_311) -> (vector<16xf32>)  : i32 {
      %mul3A_686 = arith.constant 3200 : i32
      %mul3A_687 = arith.muli %add3A, %mul3A_686 : i32
      %add3A_688 = arith.constant 256 : i32
      %add3A_689 = arith.addi %mul3A_687, %add3A_688 : i32
      %mul3A_690 = arith.constant 16 : i32
      %mul3A_691 = arith.muli %scan3A_684, %mul3A_690 : i32
      %add3A_692 = arith.addi %add3A_689, %mul3A_691 : i32
      %add3A_693 = vector.broadcast %add3A_692 : i32 to vector<16xi32>
      %add3A_694 = arith.addi %add3A_693, %iota3A : vector<16xi32>
      %mul3A_695 = arith.constant 16 : i32
      %mul3A_696 = arith.muli %scan3A_684, %mul3A_695 : i32
      %get3A = arith.constant 2 : i32
      %get3A_697 = arith.index_cast %get3A : i32 to index
      %get3A_698 = arith.index_cast %mul3A_696 : i32 to index
      %get3A_699 = tpu.vector_load %arg8[%get3A_697, %get3A_698] {strides = array<i32>} : memref<25x128xf32, #tpu.memory_space<vmem>>, vector<1x16xf32>,
      %get3A_700 = vector.shape_cast %get3A_699 : vector<1x16xf32> to vector<16xf32>
      %mul3A_701 = arith.constant 16 : i32
      %mul3A_702 = arith.muli %scan3A_684, %mul3A_701 : i32
      %get3A_703 = arith.constant 2 : i32
      %get3A_704 = arith.index_cast %get3A_703 : i32 to index
      %get3A_705 = arith.index_cast %mul3A_702 : i32 to index
      %get3A_706 = tpu.vector_load %arg7[%get3A_704, %get3A_705] {strides = array<i32>} : memref<25x128xf32, #tpu.memory_space<vmem>>, vector<1x16xf32>,
      %get3A_707 = vector.shape_cast %get3A_706 : vector<1x16xf32> to vector<16xf32>
      %lt3A = arith.constant 100000 : i32
      %lt3A_708 = vector.broadcast %lt3A : i32 to vector<16xi32>
      %lt3A_709 = arith.cmpi slt, %add3A_694, %lt3A_708 : vector<16xi32>
      %jit3A = arith.constant 0.000000e+00 : f32
      %broadcast_in_dim3A_710 = vector.broadcast %jit3A : f32 to vector<16xf32>
      %select_n3A = arith.select %lt3A_709, %get3A_707, %broadcast_in_dim3A_710 : vector<16xi1>, vector<16xf32>
      %mul3A_711 = arith.mulf %get3A_700, %select_n3A : vector<16xf32>
      %add3A_712 = arith.addf %scan3A_685, %mul3A_711 : vector<16xf32>
      scf.yield %add3A_712 : vector<16xf32>
    }
    %scan3A_328 = arith.constant 8 : i32
    %dma_wait3A_329 = arith.constant 3 : i32
    %dma_wait3A_330 = arith.constant 3 : i32
    %dma_wait3A_331 = arith.constant 0 : i32
    %dma_wait3A_332 = tpu.memref_slice %arg8[%dma_wait3A_330, %dma_wait3A_331] : memref<25x128xf32, #tpu.memory_space<vmem>> -> memref<1x128xf32, #tpu.memory_space<vmem>>
    %dma_wait3A_333 = tpu.memref_squeeze %dma_wait3A_332 : memref<1x128xf32, #tpu.memory_space<vmem>> -> memref<128xf32, #tpu.memory_space<vmem>>
    %dma_wait3A_334 = arith.constant 0 : i32
    %dma_wait3A_335 = tpu.memref_slice %arg6[%dma_wait3A_329, %dma_wait3A_334] : memref<25x128xi32, #tpu.memory_space<vmem>> -> memref<1x128xi32, #tpu.memory_space<vmem>>
    %dma_wait3A_336 = tpu.memref_squeeze %dma_wait3A_335 : memref<1x128xi32, #tpu.memory_space<vmem>> -> memref<128xi32, #tpu.memory_space<vmem>>
    %dma_wait3A_337 = arith.constant 0 : i32
    %dma_wait3A_338 = tpu.memref_slice %arg4[%dma_wait3A_337] : memref<102400xf32, #tpu.memory_space<hbm>> -> memref<102400xf32, #tpu.memory_space<hbm>>
    tpu.wait_indirect_dma semaphore(%arg10 : memref<!tpu.dma_semaphore, #tpu.memory_space<semaphore_mem>>) src(%dma_wait3A_338 : memref<102400xf32, #tpu.memory_space<hbm>>) dst(%dma_wait3A_333 : memref<128xf32, #tpu.memory_space<vmem>>)
    %scan3A_339 = arith.constant 0 : i32
    %scan3A_340 = arith.constant 8 : i32
    %scan3A_341 = arith.addi %scan3A_339, %scan3A_340 : i32
    %scan3A_342 = arith.constant 1 : i32
    %scan3A_343 = scf.for %scan3A_684 = %scan3A_339 to %scan3A_341 step %scan3A_342 iter_args(%scan3A_685 = %scan3A_327) -> (vector<16xf32>)  : i32 {
      %mul3A_686 = arith.constant 3200 : i32
      %mul3A_687 = arith.muli %add3A, %mul3A_686 : i32
      %add3A_688 = arith.constant 384 : i32
      %add3A_689 = arith.addi %mul3A_687, %add3A_688 : i32
      %mul3A_690 = arith.constant 16 : i32
      %mul3A_691 = arith.muli %scan3A_684, %mul3A_690 : i32
      %add3A_692 = arith.addi %add3A_689, %mul3A_691 : i32
      %add3A_693 = vector.broadcast %add3A_692 : i32 to vector<16xi32>
      %add3A_694 = arith.addi %add3A_693, %iota3A : vector<16xi32>
      %mul3A_695 = arith.constant 16 : i32
      %mul3A_696 = arith.muli %scan3A_684, %mul3A_695 : i32
      %get3A = arith.constant 3 : i32
      %get3A_697 = arith.index_cast %get3A : i32 to index
      %get3A_698 = arith.index_cast %mul3A_696 : i32 to index
      %get3A_699 = tpu.vector_load %arg8[%get3A_697, %get3A_698] {strides = array<i32>} : memref<25x128xf32, #tpu.memory_space<vmem>>, vector<1x16xf32>,
      %get3A_700 = vector.shape_cast %get3A_699 : vector<1x16xf32> to vector<16xf32>
      %mul3A_701 = arith.constant 16 : i32
      %mul3A_702 = arith.muli %scan3A_684, %mul3A_701 : i32
      %get3A_703 = arith.constant 3 : i32
      %get3A_704 = arith.index_cast %get3A_703 : i32 to index
      %get3A_705 = arith.index_cast %mul3A_702 : i32 to index
      %get3A_706 = tpu.vector_load %arg7[%get3A_704, %get3A_705] {strides = array<i32>} : memref<25x128xf32, #tpu.memory_space<vmem>>, vector<1x16xf32>,
      %get3A_707 = vector.shape_cast %get3A_706 : vector<1x16xf32> to vector<16xf32>
      %lt3A = arith.constant 100000 : i32
      %lt3A_708 = vector.broadcast %lt3A : i32 to vector<16xi32>
      %lt3A_709 = arith.cmpi slt, %add3A_694, %lt3A_708 : vector<16xi32>
      %jit3A = arith.constant 0.000000e+00 : f32
      %broadcast_in_dim3A_710 = vector.broadcast %jit3A : f32 to vector<16xf32>
      %select_n3A = arith.select %lt3A_709, %get3A_707, %broadcast_in_dim3A_710 : vector<16xi1>, vector<16xf32>
      %mul3A_711 = arith.mulf %get3A_700, %select_n3A : vector<16xf32>
      %add3A_712 = arith.addf %scan3A_685, %mul3A_711 : vector<16xf32>
      scf.yield %add3A_712 : vector<16xf32>
    }
    %scan3A_344 = arith.constant 8 : i32
    %dma_wait3A_345 = arith.constant 4 : i32
    %dma_wait3A_346 = arith.constant 4 : i32
    %dma_wait3A_347 = arith.constant 0 : i32
    %dma_wait3A_348 = tpu.memref_slice %arg8[%dma_wait3A_346, %dma_wait3A_347] : memref<25x128xf32, #tpu.memory_space<vmem>> -> memref<1x128xf32, #tpu.memory_space<vmem>>
    %dma_wait3A_349 = tpu.memref_squeeze %dma_wait3A_348 : memref<1x128xf32, #tpu.memory_space<vmem>> -> memref<128xf32, #tpu.memory_space<vmem>>
    %dma_wait3A_350 = arith.constant 0 : i32
    %dma_wait3A_351 = tpu.memref_slice %arg6[%dma_wait3A_345, %dma_wait3A_350] : memref<25x128xi32, #tpu.memory_space<vmem>> -> memref<1x128xi32, #tpu.memory_space<vmem>>
    %dma_wait3A_352 = tpu.memref_squeeze %dma_wait3A_351 : memref<1x128xi32, #tpu.memory_space<vmem>> -> memref<128xi32, #tpu.memory_space<vmem>>
    %dma_wait3A_353 = arith.constant 0 : i32
    %dma_wait3A_354 = tpu.memref_slice %arg4[%dma_wait3A_353] : memref<102400xf32, #tpu.memory_space<hbm>> -> memref<102400xf32, #tpu.memory_space<hbm>>
    tpu.wait_indirect_dma semaphore(%arg10 : memref<!tpu.dma_semaphore, #tpu.memory_space<semaphore_mem>>) src(%dma_wait3A_354 : memref<102400xf32, #tpu.memory_space<hbm>>) dst(%dma_wait3A_349 : memref<128xf32, #tpu.memory_space<vmem>>)
    %scan3A_355 = arith.constant 0 : i32
    %scan3A_356 = arith.constant 8 : i32
    %scan3A_357 = arith.addi %scan3A_355, %scan3A_356 : i32
    %scan3A_358 = arith.constant 1 : i32
    %scan3A_359 = scf.for %scan3A_684 = %scan3A_355 to %scan3A_357 step %scan3A_358 iter_args(%scan3A_685 = %scan3A_343) -> (vector<16xf32>)  : i32 {
      %mul3A_686 = arith.constant 3200 : i32
      %mul3A_687 = arith.muli %add3A, %mul3A_686 : i32
      %add3A_688 = arith.constant 512 : i32
      %add3A_689 = arith.addi %mul3A_687, %add3A_688 : i32
      %mul3A_690 = arith.constant 16 : i32
      %mul3A_691 = arith.muli %scan3A_684, %mul3A_690 : i32
      %add3A_692 = arith.addi %add3A_689, %mul3A_691 : i32
      %add3A_693 = vector.broadcast %add3A_692 : i32 to vector<16xi32>
      %add3A_694 = arith.addi %add3A_693, %iota3A : vector<16xi32>
      %mul3A_695 = arith.constant 16 : i32
      %mul3A_696 = arith.muli %scan3A_684, %mul3A_695 : i32
      %get3A = arith.constant 4 : i32
      %get3A_697 = arith.index_cast %get3A : i32 to index
      %get3A_698 = arith.index_cast %mul3A_696 : i32 to index
      %get3A_699 = tpu.vector_load %arg8[%get3A_697, %get3A_698] {strides = array<i32>} : memref<25x128xf32, #tpu.memory_space<vmem>>, vector<1x16xf32>,
      %get3A_700 = vector.shape_cast %get3A_699 : vector<1x16xf32> to vector<16xf32>
      %mul3A_701 = arith.constant 16 : i32
      %mul3A_702 = arith.muli %scan3A_684, %mul3A_701 : i32
      %get3A_703 = arith.constant 4 : i32
      %get3A_704 = arith.index_cast %get3A_703 : i32 to index
      %get3A_705 = arith.index_cast %mul3A_702 : i32 to index
      %get3A_706 = tpu.vector_load %arg7[%get3A_704, %get3A_705] {strides = array<i32>} : memref<25x128xf32, #tpu.memory_space<vmem>>, vector<1x16xf32>,
      %get3A_707 = vector.shape_cast %get3A_706 : vector<1x16xf32> to vector<16xf32>
      %lt3A = arith.constant 100000 : i32
      %lt3A_708 = vector.broadcast %lt3A : i32 to vector<16xi32>
      %lt3A_709 = arith.cmpi slt, %add3A_694, %lt3A_708 : vector<16xi32>
      %jit3A = arith.constant 0.000000e+00 : f32
      %broadcast_in_dim3A_710 = vector.broadcast %jit3A : f32 to vector<16xf32>
      %select_n3A = arith.select %lt3A_709, %get3A_707, %broadcast_in_dim3A_710 : vector<16xi1>, vector<16xf32>
      %mul3A_711 = arith.mulf %get3A_700, %select_n3A : vector<16xf32>
      %add3A_712 = arith.addf %scan3A_685, %mul3A_711 : vector<16xf32>
      scf.yield %add3A_712 : vector<16xf32>
    }
    %scan3A_360 = arith.constant 8 : i32
    %dma_wait3A_361 = arith.constant 5 : i32
    %dma_wait3A_362 = arith.constant 5 : i32
    %dma_wait3A_363 = arith.constant 0 : i32
    %dma_wait3A_364 = tpu.memref_slice %arg8[%dma_wait3A_362, %dma_wait3A_363] : memref<25x128xf32, #tpu.memory_space<vmem>> -> memref<1x128xf32, #tpu.memory_space<vmem>>
    %dma_wait3A_365 = tpu.memref_squeeze %dma_wait3A_364 : memref<1x128xf32, #tpu.memory_space<vmem>> -> memref<128xf32, #tpu.memory_space<vmem>>
    %dma_wait3A_366 = arith.constant 0 : i32
    %dma_wait3A_367 = tpu.memref_slice %arg6[%dma_wait3A_361, %dma_wait3A_366] : memref<25x128xi32, #tpu.memory_space<vmem>> -> memref<1x128xi32, #tpu.memory_space<vmem>>
    %dma_wait3A_368 = tpu.memref_squeeze %dma_wait3A_367 : memref<1x128xi32, #tpu.memory_space<vmem>> -> memref<128xi32, #tpu.memory_space<vmem>>
    %dma_wait3A_369 = arith.constant 0 : i32
    %dma_wait3A_370 = tpu.memref_slice %arg4[%dma_wait3A_369] : memref<102400xf32, #tpu.memory_space<hbm>> -> memref<102400xf32, #tpu.memory_space<hbm>>
    tpu.wait_indirect_dma semaphore(%arg10 : memref<!tpu.dma_semaphore, #tpu.memory_space<semaphore_mem>>) src(%dma_wait3A_370 : memref<102400xf32, #tpu.memory_space<hbm>>) dst(%dma_wait3A_365 : memref<128xf32, #tpu.memory_space<vmem>>)
    %scan3A_371 = arith.constant 0 : i32
    %scan3A_372 = arith.constant 8 : i32
    %scan3A_373 = arith.addi %scan3A_371, %scan3A_372 : i32
    %scan3A_374 = arith.constant 1 : i32
    %scan3A_375 = scf.for %scan3A_684 = %scan3A_371 to %scan3A_373 step %scan3A_374 iter_args(%scan3A_685 = %scan3A_359) -> (vector<16xf32>)  : i32 {
      %mul3A_686 = arith.constant 3200 : i32
      %mul3A_687 = arith.muli %add3A, %mul3A_686 : i32
      %add3A_688 = arith.constant 640 : i32
      %add3A_689 = arith.addi %mul3A_687, %add3A_688 : i32
      %mul3A_690 = arith.constant 16 : i32
      %mul3A_691 = arith.muli %scan3A_684, %mul3A_690 : i32
      %add3A_692 = arith.addi %add3A_689, %mul3A_691 : i32
      %add3A_693 = vector.broadcast %add3A_692 : i32 to vector<16xi32>
      %add3A_694 = arith.addi %add3A_693, %iota3A : vector<16xi32>
      %mul3A_695 = arith.constant 16 : i32
      %mul3A_696 = arith.muli %scan3A_684, %mul3A_695 : i32
      %get3A = arith.constant 5 : i32
      %get3A_697 = arith.index_cast %get3A : i32 to index
      %get3A_698 = arith.index_cast %mul3A_696 : i32 to index
      %get3A_699 = tpu.vector_load %arg8[%get3A_697, %get3A_698] {strides = array<i32>} : memref<25x128xf32, #tpu.memory_space<vmem>>, vector<1x16xf32>,
      %get3A_700 = vector.shape_cast %get3A_699 : vector<1x16xf32> to vector<16xf32>
      %mul3A_701 = arith.constant 16 : i32
      %mul3A_702 = arith.muli %scan3A_684, %mul3A_701 : i32
      %get3A_703 = arith.constant 5 : i32
      %get3A_704 = arith.index_cast %get3A_703 : i32 to index
      %get3A_705 = arith.index_cast %mul3A_702 : i32 to index
      %get3A_706 = tpu.vector_load %arg7[%get3A_704, %get3A_705] {strides = array<i32>} : memref<25x128xf32, #tpu.memory_space<vmem>>, vector<1x16xf32>,
      %get3A_707 = vector.shape_cast %get3A_706 : vector<1x16xf32> to vector<16xf32>
      %lt3A = arith.constant 100000 : i32
      %lt3A_708 = vector.broadcast %lt3A : i32 to vector<16xi32>
      %lt3A_709 = arith.cmpi slt, %add3A_694, %lt3A_708 : vector<16xi32>
      %jit3A = arith.constant 0.000000e+00 : f32
      %broadcast_in_dim3A_710 = vector.broadcast %jit3A : f32 to vector<16xf32>
      %select_n3A = arith.select %lt3A_709, %get3A_707, %broadcast_in_dim3A_710 : vector<16xi1>, vector<16xf32>
      %mul3A_711 = arith.mulf %get3A_700, %select_n3A : vector<16xf32>
      %add3A_712 = arith.addf %scan3A_685, %mul3A_711 : vector<16xf32>
      scf.yield %add3A_712 : vector<16xf32>
    }
    %scan3A_376 = arith.constant 8 : i32
    %dma_wait3A_377 = arith.constant 6 : i32
    %dma_wait3A_378 = arith.constant 6 : i32
    %dma_wait3A_379 = arith.constant 0 : i32
    %dma_wait3A_380 = tpu.memref_slice %arg8[%dma_wait3A_378, %dma_wait3A_379] : memref<25x128xf32, #tpu.memory_space<vmem>> -> memref<1x128xf32, #tpu.memory_space<vmem>>
    %dma_wait3A_381 = tpu.memref_squeeze %dma_wait3A_380 : memref<1x128xf32, #tpu.memory_space<vmem>> -> memref<128xf32, #tpu.memory_space<vmem>>
    %dma_wait3A_382 = arith.constant 0 : i32
    %dma_wait3A_383 = tpu.memref_slice %arg6[%dma_wait3A_377, %dma_wait3A_382] : memref<25x128xi32, #tpu.memory_space<vmem>> -> memref<1x128xi32, #tpu.memory_space<vmem>>
    %dma_wait3A_384 = tpu.memref_squeeze %dma_wait3A_383 : memref<1x128xi32, #tpu.memory_space<vmem>> -> memref<128xi32, #tpu.memory_space<vmem>>
    %dma_wait3A_385 = arith.constant 0 : i32
    %dma_wait3A_386 = tpu.memref_slice %arg4[%dma_wait3A_385] : memref<102400xf32, #tpu.memory_space<hbm>> -> memref<102400xf32, #tpu.memory_space<hbm>>
    tpu.wait_indirect_dma semaphore(%arg10 : memref<!tpu.dma_semaphore, #tpu.memory_space<semaphore_mem>>) src(%dma_wait3A_386 : memref<102400xf32, #tpu.memory_space<hbm>>) dst(%dma_wait3A_381 : memref<128xf32, #tpu.memory_space<vmem>>)
    %scan3A_387 = arith.constant 0 : i32
    %scan3A_388 = arith.constant 8 : i32
    %scan3A_389 = arith.addi %scan3A_387, %scan3A_388 : i32
    %scan3A_390 = arith.constant 1 : i32
    %scan3A_391 = scf.for %scan3A_684 = %scan3A_387 to %scan3A_389 step %scan3A_390 iter_args(%scan3A_685 = %scan3A_375) -> (vector<16xf32>)  : i32 {
      %mul3A_686 = arith.constant 3200 : i32
      %mul3A_687 = arith.muli %add3A, %mul3A_686 : i32
      %add3A_688 = arith.constant 768 : i32
      %add3A_689 = arith.addi %mul3A_687, %add3A_688 : i32
      %mul3A_690 = arith.constant 16 : i32
      %mul3A_691 = arith.muli %scan3A_684, %mul3A_690 : i32
      %add3A_692 = arith.addi %add3A_689, %mul3A_691 : i32
      %add3A_693 = vector.broadcast %add3A_692 : i32 to vector<16xi32>
      %add3A_694 = arith.addi %add3A_693, %iota3A : vector<16xi32>
      %mul3A_695 = arith.constant 16 : i32
      %mul3A_696 = arith.muli %scan3A_684, %mul3A_695 : i32
      %get3A = arith.constant 6 : i32
      %get3A_697 = arith.index_cast %get3A : i32 to index
      %get3A_698 = arith.index_cast %mul3A_696 : i32 to index
      %get3A_699 = tpu.vector_load %arg8[%get3A_697, %get3A_698] {strides = array<i32>} : memref<25x128xf32, #tpu.memory_space<vmem>>, vector<1x16xf32>,
      %get3A_700 = vector.shape_cast %get3A_699 : vector<1x16xf32> to vector<16xf32>
      %mul3A_701 = arith.constant 16 : i32
      %mul3A_702 = arith.muli %scan3A_684, %mul3A_701 : i32
      %get3A_703 = arith.constant 6 : i32
      %get3A_704 = arith.index_cast %get3A_703 : i32 to index
      %get3A_705 = arith.index_cast %mul3A_702 : i32 to index
      %get3A_706 = tpu.vector_load %arg7[%get3A_704, %get3A_705] {strides = array<i32>} : memref<25x128xf32, #tpu.memory_space<vmem>>, vector<1x16xf32>,
      %get3A_707 = vector.shape_cast %get3A_706 : vector<1x16xf32> to vector<16xf32>
      %lt3A = arith.constant 100000 : i32
      %lt3A_708 = vector.broadcast %lt3A : i32 to vector<16xi32>
      %lt3A_709 = arith.cmpi slt, %add3A_694, %lt3A_708 : vector<16xi32>
      %jit3A = arith.constant 0.000000e+00 : f32
      %broadcast_in_dim3A_710 = vector.broadcast %jit3A : f32 to vector<16xf32>
      %select_n3A = arith.select %lt3A_709, %get3A_707, %broadcast_in_dim3A_710 : vector<16xi1>, vector<16xf32>
      %mul3A_711 = arith.mulf %get3A_700, %select_n3A : vector<16xf32>
      %add3A_712 = arith.addf %scan3A_685, %mul3A_711 : vector<16xf32>
      scf.yield %add3A_712 : vector<16xf32>
    }
    %scan3A_392 = arith.constant 8 : i32
    %dma_wait3A_393 = arith.constant 7 : i32
    %dma_wait3A_394 = arith.constant 7 : i32
    %dma_wait3A_395 = arith.constant 0 : i32
    %dma_wait3A_396 = tpu.memref_slice %arg8[%dma_wait3A_394, %dma_wait3A_395] : memref<25x128xf32, #tpu.memory_space<vmem>> -> memref<1x128xf32, #tpu.memory_space<vmem>>
    %dma_wait3A_397 = tpu.memref_squeeze %dma_wait3A_396 : memref<1x128xf32, #tpu.memory_space<vmem>> -> memref<128xf32, #tpu.memory_space<vmem>>
    %dma_wait3A_398 = arith.constant 0 : i32
    %dma_wait3A_399 = tpu.memref_slice %arg6[%dma_wait3A_393, %dma_wait3A_398] : memref<25x128xi32, #tpu.memory_space<vmem>> -> memref<1x128xi32, #tpu.memory_space<vmem>>
    %dma_wait3A_400 = tpu.memref_squeeze %dma_wait3A_399 : memref<1x128xi32, #tpu.memory_space<vmem>> -> memref<128xi32, #tpu.memory_space<vmem>>
    %dma_wait3A_401 = arith.constant 0 : i32
    %dma_wait3A_402 = tpu.memref_slice %arg4[%dma_wait3A_401] : memref<102400xf32, #tpu.memory_space<hbm>> -> memref<102400xf32, #tpu.memory_space<hbm>>
    tpu.wait_indirect_dma semaphore(%arg10 : memref<!tpu.dma_semaphore, #tpu.memory_space<semaphore_mem>>) src(%dma_wait3A_402 : memref<102400xf32, #tpu.memory_space<hbm>>) dst(%dma_wait3A_397 : memref<128xf32, #tpu.memory_space<vmem>>)
    %scan3A_403 = arith.constant 0 : i32
    %scan3A_404 = arith.constant 8 : i32
    %scan3A_405 = arith.addi %scan3A_403, %scan3A_404 : i32
    %scan3A_406 = arith.constant 1 : i32
    %scan3A_407 = scf.for %scan3A_684 = %scan3A_403 to %scan3A_405 step %scan3A_406 iter_args(%scan3A_685 = %scan3A_391) -> (vector<16xf32>)  : i32 {
      %mul3A_686 = arith.constant 3200 : i32
      %mul3A_687 = arith.muli %add3A, %mul3A_686 : i32
      %add3A_688 = arith.constant 896 : i32
      %add3A_689 = arith.addi %mul3A_687, %add3A_688 : i32
      %mul3A_690 = arith.constant 16 : i32
      %mul3A_691 = arith.muli %scan3A_684, %mul3A_690 : i32
      %add3A_692 = arith.addi %add3A_689, %mul3A_691 : i32
      %add3A_693 = vector.broadcast %add3A_692 : i32 to vector<16xi32>
      %add3A_694 = arith.addi %add3A_693, %iota3A : vector<16xi32>
      %mul3A_695 = arith.constant 16 : i32
      %mul3A_696 = arith.muli %scan3A_684, %mul3A_695 : i32
      %get3A = arith.constant 7 : i32
      %get3A_697 = arith.index_cast %get3A : i32 to index
      %get3A_698 = arith.index_cast %mul3A_696 : i32 to index
      %get3A_699 = tpu.vector_load %arg8[%get3A_697, %get3A_698] {strides = array<i32>} : memref<25x128xf32, #tpu.memory_space<vmem>>, vector<1x16xf32>,
      %get3A_700 = vector.shape_cast %get3A_699 : vector<1x16xf32> to vector<16xf32>
      %mul3A_701 = arith.constant 16 : i32
      %mul3A_702 = arith.muli %scan3A_684, %mul3A_701 : i32
      %get3A_703 = arith.constant 7 : i32
      %get3A_704 = arith.index_cast %get3A_703 : i32 to index
      %get3A_705 = arith.index_cast %mul3A_702 : i32 to index
      %get3A_706 = tpu.vector_load %arg7[%get3A_704, %get3A_705] {strides = array<i32>} : memref<25x128xf32, #tpu.memory_space<vmem>>, vector<1x16xf32>,
      %get3A_707 = vector.shape_cast %get3A_706 : vector<1x16xf32> to vector<16xf32>
      %lt3A = arith.constant 100000 : i32
      %lt3A_708 = vector.broadcast %lt3A : i32 to vector<16xi32>
      %lt3A_709 = arith.cmpi slt, %add3A_694, %lt3A_708 : vector<16xi32>
      %jit3A = arith.constant 0.000000e+00 : f32
      %broadcast_in_dim3A_710 = vector.broadcast %jit3A : f32 to vector<16xf32>
      %select_n3A = arith.select %lt3A_709, %get3A_707, %broadcast_in_dim3A_710 : vector<16xi1>, vector<16xf32>
      %mul3A_711 = arith.mulf %get3A_700, %select_n3A : vector<16xf32>
      %add3A_712 = arith.addf %scan3A_685, %mul3A_711 : vector<16xf32>
      scf.yield %add3A_712 : vector<16xf32>
    }
    %scan3A_408 = arith.constant 8 : i32
    %dma_wait3A_409 = arith.constant 8 : i32
    %dma_wait3A_410 = arith.constant 8 : i32
    %dma_wait3A_411 = arith.constant 0 : i32
    %dma_wait3A_412 = tpu.memref_slice %arg8[%dma_wait3A_410, %dma_wait3A_411] : memref<25x128xf32, #tpu.memory_space<vmem>> -> memref<1x128xf32, #tpu.memory_space<vmem>>
    %dma_wait3A_413 = tpu.memref_squeeze %dma_wait3A_412 : memref<1x128xf32, #tpu.memory_space<vmem>> -> memref<128xf32, #tpu.memory_space<vmem>>
    %dma_wait3A_414 = arith.constant 0 : i32
    %dma_wait3A_415 = tpu.memref_slice %arg6[%dma_wait3A_409, %dma_wait3A_414] : memref<25x128xi32, #tpu.memory_space<vmem>> -> memref<1x128xi32, #tpu.memory_space<vmem>>
    %dma_wait3A_416 = tpu.memref_squeeze %dma_wait3A_415 : memref<1x128xi32, #tpu.memory_space<vmem>> -> memref<128xi32, #tpu.memory_space<vmem>>
    %dma_wait3A_417 = arith.constant 0 : i32
    %dma_wait3A_418 = tpu.memref_slice %arg4[%dma_wait3A_417] : memref<102400xf32, #tpu.memory_space<hbm>> -> memref<102400xf32, #tpu.memory_space<hbm>>
    tpu.wait_indirect_dma semaphore(%arg10 : memref<!tpu.dma_semaphore, #tpu.memory_space<semaphore_mem>>) src(%dma_wait3A_418 : memref<102400xf32, #tpu.memory_space<hbm>>) dst(%dma_wait3A_413 : memref<128xf32, #tpu.memory_space<vmem>>)
    %scan3A_419 = arith.constant 0 : i32
    %scan3A_420 = arith.constant 8 : i32
    %scan3A_421 = arith.addi %scan3A_419, %scan3A_420 : i32
    %scan3A_422 = arith.constant 1 : i32
    %scan3A_423 = scf.for %scan3A_684 = %scan3A_419 to %scan3A_421 step %scan3A_422 iter_args(%scan3A_685 = %scan3A_407) -> (vector<16xf32>)  : i32 {
      %mul3A_686 = arith.constant 3200 : i32
      %mul3A_687 = arith.muli %add3A, %mul3A_686 : i32
      %add3A_688 = arith.constant 1024 : i32
      %add3A_689 = arith.addi %mul3A_687, %add3A_688 : i32
      %mul3A_690 = arith.constant 16 : i32
      %mul3A_691 = arith.muli %scan3A_684, %mul3A_690 : i32
      %add3A_692 = arith.addi %add3A_689, %mul3A_691 : i32
      %add3A_693 = vector.broadcast %add3A_692 : i32 to vector<16xi32>
      %add3A_694 = arith.addi %add3A_693, %iota3A : vector<16xi32>
      %mul3A_695 = arith.constant 16 : i32
      %mul3A_696 = arith.muli %scan3A_684, %mul3A_695 : i32
      %get3A = arith.constant 8 : i32
      %get3A_697 = arith.index_cast %get3A : i32 to index
      %get3A_698 = arith.index_cast %mul3A_696 : i32 to index
      %get3A_699 = tpu.vector_load %arg8[%get3A_697, %get3A_698] {strides = array<i32>} : memref<25x128xf32, #tpu.memory_space<vmem>>, vector<1x16xf32>,
      %get3A_700 = vector.shape_cast %get3A_699 : vector<1x16xf32> to vector<16xf32>
      %mul3A_701 = arith.constant 16 : i32
      %mul3A_702 = arith.muli %scan3A_684, %mul3A_701 : i32
      %get3A_703 = arith.constant 8 : i32
      %get3A_704 = arith.index_cast %get3A_703 : i32 to index
      %get3A_705 = arith.index_cast %mul3A_702 : i32 to index
      %get3A_706 = tpu.vector_load %arg7[%get3A_704, %get3A_705] {strides = array<i32>} : memref<25x128xf32, #tpu.memory_space<vmem>>, vector<1x16xf32>,
      %get3A_707 = vector.shape_cast %get3A_706 : vector<1x16xf32> to vector<16xf32>
      %lt3A = arith.constant 100000 : i32
      %lt3A_708 = vector.broadcast %lt3A : i32 to vector<16xi32>
      %lt3A_709 = arith.cmpi slt, %add3A_694, %lt3A_708 : vector<16xi32>
      %jit3A = arith.constant 0.000000e+00 : f32
      %broadcast_in_dim3A_710 = vector.broadcast %jit3A : f32 to vector<16xf32>
      %select_n3A = arith.select %lt3A_709, %get3A_707, %broadcast_in_dim3A_710 : vector<16xi1>, vector<16xf32>
      %mul3A_711 = arith.mulf %get3A_700, %select_n3A : vector<16xf32>
      %add3A_712 = arith.addf %scan3A_685, %mul3A_711 : vector<16xf32>
      scf.yield %add3A_712 : vector<16xf32>
    }
    %scan3A_424 = arith.constant 8 : i32
    %dma_wait3A_425 = arith.constant 9 : i32
    %dma_wait3A_426 = arith.constant 9 : i32
    %dma_wait3A_427 = arith.constant 0 : i32
    %dma_wait3A_428 = tpu.memref_slice %arg8[%dma_wait3A_426, %dma_wait3A_427] : memref<25x128xf32, #tpu.memory_space<vmem>> -> memref<1x128xf32, #tpu.memory_space<vmem>>
    %dma_wait3A_429 = tpu.memref_squeeze %dma_wait3A_428 : memref<1x128xf32, #tpu.memory_space<vmem>> -> memref<128xf32, #tpu.memory_space<vmem>>
    %dma_wait3A_430 = arith.constant 0 : i32
    %dma_wait3A_431 = tpu.memref_slice %arg6[%dma_wait3A_425, %dma_wait3A_430] : memref<25x128xi32, #tpu.memory_space<vmem>> -> memref<1x128xi32, #tpu.memory_space<vmem>>
    %dma_wait3A_432 = tpu.memref_squeeze %dma_wait3A_431 : memref<1x128xi32, #tpu.memory_space<vmem>> -> memref<128xi32, #tpu.memory_space<vmem>>
    %dma_wait3A_433 = arith.constant 0 : i32
    %dma_wait3A_434 = tpu.memref_slice %arg4[%dma_wait3A_433] : memref<102400xf32, #tpu.memory_space<hbm>> -> memref<102400xf32, #tpu.memory_space<hbm>>
    tpu.wait_indirect_dma semaphore(%arg10 : memref<!tpu.dma_semaphore, #tpu.memory_space<semaphore_mem>>) src(%dma_wait3A_434 : memref<102400xf32, #tpu.memory_space<hbm>>) dst(%dma_wait3A_429 : memref<128xf32, #tpu.memory_space<vmem>>)
    %scan3A_435 = arith.constant 0 : i32
    %scan3A_436 = arith.constant 8 : i32
    %scan3A_437 = arith.addi %scan3A_435, %scan3A_436 : i32
    %scan3A_438 = arith.constant 1 : i32
    %scan3A_439 = scf.for %scan3A_684 = %scan3A_435 to %scan3A_437 step %scan3A_438 iter_args(%scan3A_685 = %scan3A_423) -> (vector<16xf32>)  : i32 {
      %mul3A_686 = arith.constant 3200 : i32
      %mul3A_687 = arith.muli %add3A, %mul3A_686 : i32
      %add3A_688 = arith.constant 1152 : i32
      %add3A_689 = arith.addi %mul3A_687, %add3A_688 : i32
      %mul3A_690 = arith.constant 16 : i32
      %mul3A_691 = arith.muli %scan3A_684, %mul3A_690 : i32
      %add3A_692 = arith.addi %add3A_689, %mul3A_691 : i32
      %add3A_693 = vector.broadcast %add3A_692 : i32 to vector<16xi32>
      %add3A_694 = arith.addi %add3A_693, %iota3A : vector<16xi32>
      %mul3A_695 = arith.constant 16 : i32
      %mul3A_696 = arith.muli %scan3A_684, %mul3A_695 : i32
      %get3A = arith.constant 9 : i32
      %get3A_697 = arith.index_cast %get3A : i32 to index
      %get3A_698 = arith.index_cast %mul3A_696 : i32 to index
      %get3A_699 = tpu.vector_load %arg8[%get3A_697, %get3A_698] {strides = array<i32>} : memref<25x128xf32, #tpu.memory_space<vmem>>, vector<1x16xf32>,
      %get3A_700 = vector.shape_cast %get3A_699 : vector<1x16xf32> to vector<16xf32>
      %mul3A_701 = arith.constant 16 : i32
      %mul3A_702 = arith.muli %scan3A_684, %mul3A_701 : i32
      %get3A_703 = arith.constant 9 : i32
      %get3A_704 = arith.index_cast %get3A_703 : i32 to index
      %get3A_705 = arith.index_cast %mul3A_702 : i32 to index
      %get3A_706 = tpu.vector_load %arg7[%get3A_704, %get3A_705] {strides = array<i32>} : memref<25x128xf32, #tpu.memory_space<vmem>>, vector<1x16xf32>,
      %get3A_707 = vector.shape_cast %get3A_706 : vector<1x16xf32> to vector<16xf32>
      %lt3A = arith.constant 100000 : i32
      %lt3A_708 = vector.broadcast %lt3A : i32 to vector<16xi32>
      %lt3A_709 = arith.cmpi slt, %add3A_694, %lt3A_708 : vector<16xi32>
      %jit3A = arith.constant 0.000000e+00 : f32
      %broadcast_in_dim3A_710 = vector.broadcast %jit3A : f32 to vector<16xf32>
      %select_n3A = arith.select %lt3A_709, %get3A_707, %broadcast_in_dim3A_710 : vector<16xi1>, vector<16xf32>
      %mul3A_711 = arith.mulf %get3A_700, %select_n3A : vector<16xf32>
      %add3A_712 = arith.addf %scan3A_685, %mul3A_711 : vector<16xf32>
      scf.yield %add3A_712 : vector<16xf32>
    }
    %scan3A_440 = arith.constant 8 : i32
    %dma_wait3A_441 = arith.constant 10 : i32
    %dma_wait3A_442 = arith.constant 10 : i32
    %dma_wait3A_443 = arith.constant 0 : i32
    %dma_wait3A_444 = tpu.memref_slice %arg8[%dma_wait3A_442, %dma_wait3A_443] : memref<25x128xf32, #tpu.memory_space<vmem>> -> memref<1x128xf32, #tpu.memory_space<vmem>>
    %dma_wait3A_445 = tpu.memref_squeeze %dma_wait3A_444 : memref<1x128xf32, #tpu.memory_space<vmem>> -> memref<128xf32, #tpu.memory_space<vmem>>
    %dma_wait3A_446 = arith.constant 0 : i32
    %dma_wait3A_447 = tpu.memref_slice %arg6[%dma_wait3A_441, %dma_wait3A_446] : memref<25x128xi32, #tpu.memory_space<vmem>> -> memref<1x128xi32, #tpu.memory_space<vmem>>
    %dma_wait3A_448 = tpu.memref_squeeze %dma_wait3A_447 : memref<1x128xi32, #tpu.memory_space<vmem>> -> memref<128xi32, #tpu.memory_space<vmem>>
    %dma_wait3A_449 = arith.constant 0 : i32
    %dma_wait3A_450 = tpu.memref_slice %arg4[%dma_wait3A_449] : memref<102400xf32, #tpu.memory_space<hbm>> -> memref<102400xf32, #tpu.memory_space<hbm>>
    tpu.wait_indirect_dma semaphore(%arg10 : memref<!tpu.dma_semaphore, #tpu.memory_space<semaphore_mem>>) src(%dma_wait3A_450 : memref<102400xf32, #tpu.memory_space<hbm>>) dst(%dma_wait3A_445 : memref<128xf32, #tpu.memory_space<vmem>>)
    %scan3A_451 = arith.constant 0 : i32
    %scan3A_452 = arith.constant 8 : i32
    %scan3A_453 = arith.addi %scan3A_451, %scan3A_452 : i32
    %scan3A_454 = arith.constant 1 : i32
    %scan3A_455 = scf.for %scan3A_684 = %scan3A_451 to %scan3A_453 step %scan3A_454 iter_args(%scan3A_685 = %scan3A_439) -> (vector<16xf32>)  : i32 {
      %mul3A_686 = arith.constant 3200 : i32
      %mul3A_687 = arith.muli %add3A, %mul3A_686 : i32
      %add3A_688 = arith.constant 1280 : i32
      %add3A_689 = arith.addi %mul3A_687, %add3A_688 : i32
      %mul3A_690 = arith.constant 16 : i32
      %mul3A_691 = arith.muli %scan3A_684, %mul3A_690 : i32
      %add3A_692 = arith.addi %add3A_689, %mul3A_691 : i32
      %add3A_693 = vector.broadcast %add3A_692 : i32 to vector<16xi32>
      %add3A_694 = arith.addi %add3A_693, %iota3A : vector<16xi32>
      %mul3A_695 = arith.constant 16 : i32
      %mul3A_696 = arith.muli %scan3A_684, %mul3A_695 : i32
      %get3A = arith.constant 10 : i32
      %get3A_697 = arith.index_cast %get3A : i32 to index
      %get3A_698 = arith.index_cast %mul3A_696 : i32 to index
      %get3A_699 = tpu.vector_load %arg8[%get3A_697, %get3A_698] {strides = array<i32>} : memref<25x128xf32, #tpu.memory_space<vmem>>, vector<1x16xf32>,
      %get3A_700 = vector.shape_cast %get3A_699 : vector<1x16xf32> to vector<16xf32>
      %mul3A_701 = arith.constant 16 : i32
      %mul3A_702 = arith.muli %scan3A_684, %mul3A_701 : i32
      %get3A_703 = arith.constant 10 : i32
      %get3A_704 = arith.index_cast %get3A_703 : i32 to index
      %get3A_705 = arith.index_cast %mul3A_702 : i32 to index
      %get3A_706 = tpu.vector_load %arg7[%get3A_704, %get3A_705] {strides = array<i32>} : memref<25x128xf32, #tpu.memory_space<vmem>>, vector<1x16xf32>,
      %get3A_707 = vector.shape_cast %get3A_706 : vector<1x16xf32> to vector<16xf32>
      %lt3A = arith.constant 100000 : i32
      %lt3A_708 = vector.broadcast %lt3A : i32 to vector<16xi32>
      %lt3A_709 = arith.cmpi slt, %add3A_694, %lt3A_708 : vector<16xi32>
      %jit3A = arith.constant 0.000000e+00 : f32
      %broadcast_in_dim3A_710 = vector.broadcast %jit3A : f32 to vector<16xf32>
      %select_n3A = arith.select %lt3A_709, %get3A_707, %broadcast_in_dim3A_710 : vector<16xi1>, vector<16xf32>
      %mul3A_711 = arith.mulf %get3A_700, %select_n3A : vector<16xf32>
      %add3A_712 = arith.addf %scan3A_685, %mul3A_711 : vector<16xf32>
      scf.yield %add3A_712 : vector<16xf32>
    }
    %scan3A_456 = arith.constant 8 : i32
    %dma_wait3A_457 = arith.constant 11 : i32
    %dma_wait3A_458 = arith.constant 11 : i32
    %dma_wait3A_459 = arith.constant 0 : i32
    %dma_wait3A_460 = tpu.memref_slice %arg8[%dma_wait3A_458, %dma_wait3A_459] : memref<25x128xf32, #tpu.memory_space<vmem>> -> memref<1x128xf32, #tpu.memory_space<vmem>>
    %dma_wait3A_461 = tpu.memref_squeeze %dma_wait3A_460 : memref<1x128xf32, #tpu.memory_space<vmem>> -> memref<128xf32, #tpu.memory_space<vmem>>
    %dma_wait3A_462 = arith.constant 0 : i32
    %dma_wait3A_463 = tpu.memref_slice %arg6[%dma_wait3A_457, %dma_wait3A_462] : memref<25x128xi32, #tpu.memory_space<vmem>> -> memref<1x128xi32, #tpu.memory_space<vmem>>
    %dma_wait3A_464 = tpu.memref_squeeze %dma_wait3A_463 : memref<1x128xi32, #tpu.memory_space<vmem>> -> memref<128xi32, #tpu.memory_space<vmem>>
    %dma_wait3A_465 = arith.constant 0 : i32
    %dma_wait3A_466 = tpu.memref_slice %arg4[%dma_wait3A_465] : memref<102400xf32, #tpu.memory_space<hbm>> -> memref<102400xf32, #tpu.memory_space<hbm>>
    tpu.wait_indirect_dma semaphore(%arg10 : memref<!tpu.dma_semaphore, #tpu.memory_space<semaphore_mem>>) src(%dma_wait3A_466 : memref<102400xf32, #tpu.memory_space<hbm>>) dst(%dma_wait3A_461 : memref<128xf32, #tpu.memory_space<vmem>>)
    %scan3A_467 = arith.constant 0 : i32
    %scan3A_468 = arith.constant 8 : i32
    %scan3A_469 = arith.addi %scan3A_467, %scan3A_468 : i32
    %scan3A_470 = arith.constant 1 : i32
    %scan3A_471 = scf.for %scan3A_684 = %scan3A_467 to %scan3A_469 step %scan3A_470 iter_args(%scan3A_685 = %scan3A_455) -> (vector<16xf32>)  : i32 {
      %mul3A_686 = arith.constant 3200 : i32
      %mul3A_687 = arith.muli %add3A, %mul3A_686 : i32
      %add3A_688 = arith.constant 1408 : i32
      %add3A_689 = arith.addi %mul3A_687, %add3A_688 : i32
      %mul3A_690 = arith.constant 16 : i32
      %mul3A_691 = arith.muli %scan3A_684, %mul3A_690 : i32
      %add3A_692 = arith.addi %add3A_689, %mul3A_691 : i32
      %add3A_693 = vector.broadcast %add3A_692 : i32 to vector<16xi32>
      %add3A_694 = arith.addi %add3A_693, %iota3A : vector<16xi32>
      %mul3A_695 = arith.constant 16 : i32
      %mul3A_696 = arith.muli %scan3A_684, %mul3A_695 : i32
      %get3A = arith.constant 11 : i32
      %get3A_697 = arith.index_cast %get3A : i32 to index
      %get3A_698 = arith.index_cast %mul3A_696 : i32 to index
      %get3A_699 = tpu.vector_load %arg8[%get3A_697, %get3A_698] {strides = array<i32>} : memref<25x128xf32, #tpu.memory_space<vmem>>, vector<1x16xf32>,
      %get3A_700 = vector.shape_cast %get3A_699 : vector<1x16xf32> to vector<16xf32>
      %mul3A_701 = arith.constant 16 : i32
      %mul3A_702 = arith.muli %scan3A_684, %mul3A_701 : i32
      %get3A_703 = arith.constant 11 : i32
      %get3A_704 = arith.index_cast %get3A_703 : i32 to index
      %get3A_705 = arith.index_cast %mul3A_702 : i32 to index
      %get3A_706 = tpu.vector_load %arg7[%get3A_704, %get3A_705] {strides = array<i32>} : memref<25x128xf32, #tpu.memory_space<vmem>>, vector<1x16xf32>,
      %get3A_707 = vector.shape_cast %get3A_706 : vector<1x16xf32> to vector<16xf32>
      %lt3A = arith.constant 100000 : i32
      %lt3A_708 = vector.broadcast %lt3A : i32 to vector<16xi32>
      %lt3A_709 = arith.cmpi slt, %add3A_694, %lt3A_708 : vector<16xi32>
      %jit3A = arith.constant 0.000000e+00 : f32
      %broadcast_in_dim3A_710 = vector.broadcast %jit3A : f32 to vector<16xf32>
      %select_n3A = arith.select %lt3A_709, %get3A_707, %broadcast_in_dim3A_710 : vector<16xi1>, vector<16xf32>
      %mul3A_711 = arith.mulf %get3A_700, %select_n3A : vector<16xf32>
      %add3A_712 = arith.addf %scan3A_685, %mul3A_711 : vector<16xf32>
      scf.yield %add3A_712 : vector<16xf32>
    }
    %scan3A_472 = arith.constant 8 : i32
    %dma_wait3A_473 = arith.constant 12 : i32
    %dma_wait3A_474 = arith.constant 12 : i32
    %dma_wait3A_475 = arith.constant 0 : i32
    %dma_wait3A_476 = tpu.memref_slice %arg8[%dma_wait3A_474, %dma_wait3A_475] : memref<25x128xf32, #tpu.memory_space<vmem>> -> memref<1x128xf32, #tpu.memory_space<vmem>>
    %dma_wait3A_477 = tpu.memref_squeeze %dma_wait3A_476 : memref<1x128xf32, #tpu.memory_space<vmem>> -> memref<128xf32, #tpu.memory_space<vmem>>
    %dma_wait3A_478 = arith.constant 0 : i32
    %dma_wait3A_479 = tpu.memref_slice %arg6[%dma_wait3A_473, %dma_wait3A_478] : memref<25x128xi32, #tpu.memory_space<vmem>> -> memref<1x128xi32, #tpu.memory_space<vmem>>
    %dma_wait3A_480 = tpu.memref_squeeze %dma_wait3A_479 : memref<1x128xi32, #tpu.memory_space<vmem>> -> memref<128xi32, #tpu.memory_space<vmem>>
    %dma_wait3A_481 = arith.constant 0 : i32
    %dma_wait3A_482 = tpu.memref_slice %arg4[%dma_wait3A_481] : memref<102400xf32, #tpu.memory_space<hbm>> -> memref<102400xf32, #tpu.memory_space<hbm>>
    tpu.wait_indirect_dma semaphore(%arg10 : memref<!tpu.dma_semaphore, #tpu.memory_space<semaphore_mem>>) src(%dma_wait3A_482 : memref<102400xf32, #tpu.memory_space<hbm>>) dst(%dma_wait3A_477 : memref<128xf32, #tpu.memory_space<vmem>>)
    %scan3A_483 = arith.constant 0 : i32
    %scan3A_484 = arith.constant 8 : i32
    %scan3A_485 = arith.addi %scan3A_483, %scan3A_484 : i32
    %scan3A_486 = arith.constant 1 : i32
    %scan3A_487 = scf.for %scan3A_684 = %scan3A_483 to %scan3A_485 step %scan3A_486 iter_args(%scan3A_685 = %scan3A_471) -> (vector<16xf32>)  : i32 {
      %mul3A_686 = arith.constant 3200 : i32
      %mul3A_687 = arith.muli %add3A, %mul3A_686 : i32
      %add3A_688 = arith.constant 1536 : i32
      %add3A_689 = arith.addi %mul3A_687, %add3A_688 : i32
      %mul3A_690 = arith.constant 16 : i32
      %mul3A_691 = arith.muli %scan3A_684, %mul3A_690 : i32
      %add3A_692 = arith.addi %add3A_689, %mul3A_691 : i32
      %add3A_693 = vector.broadcast %add3A_692 : i32 to vector<16xi32>
      %add3A_694 = arith.addi %add3A_693, %iota3A : vector<16xi32>
      %mul3A_695 = arith.constant 16 : i32
      %mul3A_696 = arith.muli %scan3A_684, %mul3A_695 : i32
      %get3A = arith.constant 12 : i32
      %get3A_697 = arith.index_cast %get3A : i32 to index
      %get3A_698 = arith.index_cast %mul3A_696 : i32 to index
      %get3A_699 = tpu.vector_load %arg8[%get3A_697, %get3A_698] {strides = array<i32>} : memref<25x128xf32, #tpu.memory_space<vmem>>, vector<1x16xf32>,
      %get3A_700 = vector.shape_cast %get3A_699 : vector<1x16xf32> to vector<16xf32>
      %mul3A_701 = arith.constant 16 : i32
      %mul3A_702 = arith.muli %scan3A_684, %mul3A_701 : i32
      %get3A_703 = arith.constant 12 : i32
      %get3A_704 = arith.index_cast %get3A_703 : i32 to index
      %get3A_705 = arith.index_cast %mul3A_702 : i32 to index
      %get3A_706 = tpu.vector_load %arg7[%get3A_704, %get3A_705] {strides = array<i32>} : memref<25x128xf32, #tpu.memory_space<vmem>>, vector<1x16xf32>,
      %get3A_707 = vector.shape_cast %get3A_706 : vector<1x16xf32> to vector<16xf32>
      %lt3A = arith.constant 100000 : i32
      %lt3A_708 = vector.broadcast %lt3A : i32 to vector<16xi32>
      %lt3A_709 = arith.cmpi slt, %add3A_694, %lt3A_708 : vector<16xi32>
      %jit3A = arith.constant 0.000000e+00 : f32
      %broadcast_in_dim3A_710 = vector.broadcast %jit3A : f32 to vector<16xf32>
      %select_n3A = arith.select %lt3A_709, %get3A_707, %broadcast_in_dim3A_710 : vector<16xi1>, vector<16xf32>
      %mul3A_711 = arith.mulf %get3A_700, %select_n3A : vector<16xf32>
      %add3A_712 = arith.addf %scan3A_685, %mul3A_711 : vector<16xf32>
      scf.yield %add3A_712 : vector<16xf32>
    }
    %scan3A_488 = arith.constant 8 : i32
    %dma_wait3A_489 = arith.constant 13 : i32
    %dma_wait3A_490 = arith.constant 13 : i32
    %dma_wait3A_491 = arith.constant 0 : i32
    %dma_wait3A_492 = tpu.memref_slice %arg8[%dma_wait3A_490, %dma_wait3A_491] : memref<25x128xf32, #tpu.memory_space<vmem>> -> memref<1x128xf32, #tpu.memory_space<vmem>>
    %dma_wait3A_493 = tpu.memref_squeeze %dma_wait3A_492 : memref<1x128xf32, #tpu.memory_space<vmem>> -> memref<128xf32, #tpu.memory_space<vmem>>
    %dma_wait3A_494 = arith.constant 0 : i32
    %dma_wait3A_495 = tpu.memref_slice %arg6[%dma_wait3A_489, %dma_wait3A_494] : memref<25x128xi32, #tpu.memory_space<vmem>> -> memref<1x128xi32, #tpu.memory_space<vmem>>
    %dma_wait3A_496 = tpu.memref_squeeze %dma_wait3A_495 : memref<1x128xi32, #tpu.memory_space<vmem>> -> memref<128xi32, #tpu.memory_space<vmem>>
    %dma_wait3A_497 = arith.constant 0 : i32
    %dma_wait3A_498 = tpu.memref_slice %arg4[%dma_wait3A_497] : memref<102400xf32, #tpu.memory_space<hbm>> -> memref<102400xf32, #tpu.memory_space<hbm>>
    tpu.wait_indirect_dma semaphore(%arg10 : memref<!tpu.dma_semaphore, #tpu.memory_space<semaphore_mem>>) src(%dma_wait3A_498 : memref<102400xf32, #tpu.memory_space<hbm>>) dst(%dma_wait3A_493 : memref<128xf32, #tpu.memory_space<vmem>>)
    %scan3A_499 = arith.constant 0 : i32
    %scan3A_500 = arith.constant 8 : i32
    %scan3A_501 = arith.addi %scan3A_499, %scan3A_500 : i32
    %scan3A_502 = arith.constant 1 : i32
    %scan3A_503 = scf.for %scan3A_684 = %scan3A_499 to %scan3A_501 step %scan3A_502 iter_args(%scan3A_685 = %scan3A_487) -> (vector<16xf32>)  : i32 {
      %mul3A_686 = arith.constant 3200 : i32
      %mul3A_687 = arith.muli %add3A, %mul3A_686 : i32
      %add3A_688 = arith.constant 1664 : i32
      %add3A_689 = arith.addi %mul3A_687, %add3A_688 : i32
      %mul3A_690 = arith.constant 16 : i32
      %mul3A_691 = arith.muli %scan3A_684, %mul3A_690 : i32
      %add3A_692 = arith.addi %add3A_689, %mul3A_691 : i32
      %add3A_693 = vector.broadcast %add3A_692 : i32 to vector<16xi32>
      %add3A_694 = arith.addi %add3A_693, %iota3A : vector<16xi32>
      %mul3A_695 = arith.constant 16 : i32
      %mul3A_696 = arith.muli %scan3A_684, %mul3A_695 : i32
      %get3A = arith.constant 13 : i32
      %get3A_697 = arith.index_cast %get3A : i32 to index
      %get3A_698 = arith.index_cast %mul3A_696 : i32 to index
      %get3A_699 = tpu.vector_load %arg8[%get3A_697, %get3A_698] {strides = array<i32>} : memref<25x128xf32, #tpu.memory_space<vmem>>, vector<1x16xf32>,
      %get3A_700 = vector.shape_cast %get3A_699 : vector<1x16xf32> to vector<16xf32>
      %mul3A_701 = arith.constant 16 : i32
      %mul3A_702 = arith.muli %scan3A_684, %mul3A_701 : i32
      %get3A_703 = arith.constant 13 : i32
      %get3A_704 = arith.index_cast %get3A_703 : i32 to index
      %get3A_705 = arith.index_cast %mul3A_702 : i32 to index
      %get3A_706 = tpu.vector_load %arg7[%get3A_704, %get3A_705] {strides = array<i32>} : memref<25x128xf32, #tpu.memory_space<vmem>>, vector<1x16xf32>,
      %get3A_707 = vector.shape_cast %get3A_706 : vector<1x16xf32> to vector<16xf32>
      %lt3A = arith.constant 100000 : i32
      %lt3A_708 = vector.broadcast %lt3A : i32 to vector<16xi32>
      %lt3A_709 = arith.cmpi slt, %add3A_694, %lt3A_708 : vector<16xi32>
      %jit3A = arith.constant 0.000000e+00 : f32
      %broadcast_in_dim3A_710 = vector.broadcast %jit3A : f32 to vector<16xf32>
      %select_n3A = arith.select %lt3A_709, %get3A_707, %broadcast_in_dim3A_710 : vector<16xi1>, vector<16xf32>
      %mul3A_711 = arith.mulf %get3A_700, %select_n3A : vector<16xf32>
      %add3A_712 = arith.addf %scan3A_685, %mul3A_711 : vector<16xf32>
      scf.yield %add3A_712 : vector<16xf32>
    }
    %scan3A_504 = arith.constant 8 : i32
    %dma_wait3A_505 = arith.constant 14 : i32
    %dma_wait3A_506 = arith.constant 14 : i32
    %dma_wait3A_507 = arith.constant 0 : i32
    %dma_wait3A_508 = tpu.memref_slice %arg8[%dma_wait3A_506, %dma_wait3A_507] : memref<25x128xf32, #tpu.memory_space<vmem>> -> memref<1x128xf32, #tpu.memory_space<vmem>>
    %dma_wait3A_509 = tpu.memref_squeeze %dma_wait3A_508 : memref<1x128xf32, #tpu.memory_space<vmem>> -> memref<128xf32, #tpu.memory_space<vmem>>
    %dma_wait3A_510 = arith.constant 0 : i32
    %dma_wait3A_511 = tpu.memref_slice %arg6[%dma_wait3A_505, %dma_wait3A_510] : memref<25x128xi32, #tpu.memory_space<vmem>> -> memref<1x128xi32, #tpu.memory_space<vmem>>
    %dma_wait3A_512 = tpu.memref_squeeze %dma_wait3A_511 : memref<1x128xi32, #tpu.memory_space<vmem>> -> memref<128xi32, #tpu.memory_space<vmem>>
    %dma_wait3A_513 = arith.constant 0 : i32
    %dma_wait3A_514 = tpu.memref_slice %arg4[%dma_wait3A_513] : memref<102400xf32, #tpu.memory_space<hbm>> -> memref<102400xf32, #tpu.memory_space<hbm>>
    tpu.wait_indirect_dma semaphore(%arg10 : memref<!tpu.dma_semaphore, #tpu.memory_space<semaphore_mem>>) src(%dma_wait3A_514 : memref<102400xf32, #tpu.memory_space<hbm>>) dst(%dma_wait3A_509 : memref<128xf32, #tpu.memory_space<vmem>>)
    %scan3A_515 = arith.constant 0 : i32
    %scan3A_516 = arith.constant 8 : i32
    %scan3A_517 = arith.addi %scan3A_515, %scan3A_516 : i32
    %scan3A_518 = arith.constant 1 : i32
    %scan3A_519 = scf.for %scan3A_684 = %scan3A_515 to %scan3A_517 step %scan3A_518 iter_args(%scan3A_685 = %scan3A_503) -> (vector<16xf32>)  : i32 {
      %mul3A_686 = arith.constant 3200 : i32
      %mul3A_687 = arith.muli %add3A, %mul3A_686 : i32
      %add3A_688 = arith.constant 1792 : i32
      %add3A_689 = arith.addi %mul3A_687, %add3A_688 : i32
      %mul3A_690 = arith.constant 16 : i32
      %mul3A_691 = arith.muli %scan3A_684, %mul3A_690 : i32
      %add3A_692 = arith.addi %add3A_689, %mul3A_691 : i32
      %add3A_693 = vector.broadcast %add3A_692 : i32 to vector<16xi32>
      %add3A_694 = arith.addi %add3A_693, %iota3A : vector<16xi32>
      %mul3A_695 = arith.constant 16 : i32
      %mul3A_696 = arith.muli %scan3A_684, %mul3A_695 : i32
      %get3A = arith.constant 14 : i32
      %get3A_697 = arith.index_cast %get3A : i32 to index
      %get3A_698 = arith.index_cast %mul3A_696 : i32 to index
      %get3A_699 = tpu.vector_load %arg8[%get3A_697, %get3A_698] {strides = array<i32>} : memref<25x128xf32, #tpu.memory_space<vmem>>, vector<1x16xf32>,
      %get3A_700 = vector.shape_cast %get3A_699 : vector<1x16xf32> to vector<16xf32>
      %mul3A_701 = arith.constant 16 : i32
      %mul3A_702 = arith.muli %scan3A_684, %mul3A_701 : i32
      %get3A_703 = arith.constant 14 : i32
      %get3A_704 = arith.index_cast %get3A_703 : i32 to index
      %get3A_705 = arith.index_cast %mul3A_702 : i32 to index
      %get3A_706 = tpu.vector_load %arg7[%get3A_704, %get3A_705] {strides = array<i32>} : memref<25x128xf32, #tpu.memory_space<vmem>>, vector<1x16xf32>,
      %get3A_707 = vector.shape_cast %get3A_706 : vector<1x16xf32> to vector<16xf32>
      %lt3A = arith.constant 100000 : i32
      %lt3A_708 = vector.broadcast %lt3A : i32 to vector<16xi32>
      %lt3A_709 = arith.cmpi slt, %add3A_694, %lt3A_708 : vector<16xi32>
      %jit3A = arith.constant 0.000000e+00 : f32
      %broadcast_in_dim3A_710 = vector.broadcast %jit3A : f32 to vector<16xf32>
      %select_n3A = arith.select %lt3A_709, %get3A_707, %broadcast_in_dim3A_710 : vector<16xi1>, vector<16xf32>
      %mul3A_711 = arith.mulf %get3A_700, %select_n3A : vector<16xf32>
      %add3A_712 = arith.addf %scan3A_685, %mul3A_711 : vector<16xf32>
      scf.yield %add3A_712 : vector<16xf32>
    }
    %scan3A_520 = arith.constant 8 : i32
    %dma_wait3A_521 = arith.constant 15 : i32
    %dma_wait3A_522 = arith.constant 15 : i32
    %dma_wait3A_523 = arith.constant 0 : i32
    %dma_wait3A_524 = tpu.memref_slice %arg8[%dma_wait3A_522, %dma_wait3A_523] : memref<25x128xf32, #tpu.memory_space<vmem>> -> memref<1x128xf32, #tpu.memory_space<vmem>>
    %dma_wait3A_525 = tpu.memref_squeeze %dma_wait3A_524 : memref<1x128xf32, #tpu.memory_space<vmem>> -> memref<128xf32, #tpu.memory_space<vmem>>
    %dma_wait3A_526 = arith.constant 0 : i32
    %dma_wait3A_527 = tpu.memref_slice %arg6[%dma_wait3A_521, %dma_wait3A_526] : memref<25x128xi32, #tpu.memory_space<vmem>> -> memref<1x128xi32, #tpu.memory_space<vmem>>
    %dma_wait3A_528 = tpu.memref_squeeze %dma_wait3A_527 : memref<1x128xi32, #tpu.memory_space<vmem>> -> memref<128xi32, #tpu.memory_space<vmem>>
    %dma_wait3A_529 = arith.constant 0 : i32
    %dma_wait3A_530 = tpu.memref_slice %arg4[%dma_wait3A_529] : memref<102400xf32, #tpu.memory_space<hbm>> -> memref<102400xf32, #tpu.memory_space<hbm>>
    tpu.wait_indirect_dma semaphore(%arg10 : memref<!tpu.dma_semaphore, #tpu.memory_space<semaphore_mem>>) src(%dma_wait3A_530 : memref<102400xf32, #tpu.memory_space<hbm>>) dst(%dma_wait3A_525 : memref<128xf32, #tpu.memory_space<vmem>>)
    %scan3A_531 = arith.constant 0 : i32
    %scan3A_532 = arith.constant 8 : i32
    %scan3A_533 = arith.addi %scan3A_531, %scan3A_532 : i32
    %scan3A_534 = arith.constant 1 : i32
    %scan3A_535 = scf.for %scan3A_684 = %scan3A_531 to %scan3A_533 step %scan3A_534 iter_args(%scan3A_685 = %scan3A_519) -> (vector<16xf32>)  : i32 {
      %mul3A_686 = arith.constant 3200 : i32
      %mul3A_687 = arith.muli %add3A, %mul3A_686 : i32
      %add3A_688 = arith.constant 1920 : i32
      %add3A_689 = arith.addi %mul3A_687, %add3A_688 : i32
      %mul3A_690 = arith.constant 16 : i32
      %mul3A_691 = arith.muli %scan3A_684, %mul3A_690 : i32
      %add3A_692 = arith.addi %add3A_689, %mul3A_691 : i32
      %add3A_693 = vector.broadcast %add3A_692 : i32 to vector<16xi32>
      %add3A_694 = arith.addi %add3A_693, %iota3A : vector<16xi32>
      %mul3A_695 = arith.constant 16 : i32
      %mul3A_696 = arith.muli %scan3A_684, %mul3A_695 : i32
      %get3A = arith.constant 15 : i32
      %get3A_697 = arith.index_cast %get3A : i32 to index
      %get3A_698 = arith.index_cast %mul3A_696 : i32 to index
      %get3A_699 = tpu.vector_load %arg8[%get3A_697, %get3A_698] {strides = array<i32>} : memref<25x128xf32, #tpu.memory_space<vmem>>, vector<1x16xf32>,
      %get3A_700 = vector.shape_cast %get3A_699 : vector<1x16xf32> to vector<16xf32>
      %mul3A_701 = arith.constant 16 : i32
      %mul3A_702 = arith.muli %scan3A_684, %mul3A_701 : i32
      %get3A_703 = arith.constant 15 : i32
      %get3A_704 = arith.index_cast %get3A_703 : i32 to index
      %get3A_705 = arith.index_cast %mul3A_702 : i32 to index
      %get3A_706 = tpu.vector_load %arg7[%get3A_704, %get3A_705] {strides = array<i32>} : memref<25x128xf32, #tpu.memory_space<vmem>>, vector<1x16xf32>,
      %get3A_707 = vector.shape_cast %get3A_706 : vector<1x16xf32> to vector<16xf32>
      %lt3A = arith.constant 100000 : i32
      %lt3A_708 = vector.broadcast %lt3A : i32 to vector<16xi32>
      %lt3A_709 = arith.cmpi slt, %add3A_694, %lt3A_708 : vector<16xi32>
      %jit3A = arith.constant 0.000000e+00 : f32
      %broadcast_in_dim3A_710 = vector.broadcast %jit3A : f32 to vector<16xf32>
      %select_n3A = arith.select %lt3A_709, %get3A_707, %broadcast_in_dim3A_710 : vector<16xi1>, vector<16xf32>
      %mul3A_711 = arith.mulf %get3A_700, %select_n3A : vector<16xf32>
      %add3A_712 = arith.addf %scan3A_685, %mul3A_711 : vector<16xf32>
      scf.yield %add3A_712 : vector<16xf32>
    }
    %scan3A_536 = arith.constant 8 : i32
    %dma_wait3A_537 = arith.constant 16 : i32
    %dma_wait3A_538 = arith.constant 16 : i32
    %dma_wait3A_539 = arith.constant 0 : i32
    %dma_wait3A_540 = tpu.memref_slice %arg8[%dma_wait3A_538, %dma_wait3A_539] : memref<25x128xf32, #tpu.memory_space<vmem>> -> memref<1x128xf32, #tpu.memory_space<vmem>>
    %dma_wait3A_541 = tpu.memref_squeeze %dma_wait3A_540 : memref<1x128xf32, #tpu.memory_space<vmem>> -> memref<128xf32, #tpu.memory_space<vmem>>
    %dma_wait3A_542 = arith.constant 0 : i32
    %dma_wait3A_543 = tpu.memref_slice %arg6[%dma_wait3A_537, %dma_wait3A_542] : memref<25x128xi32, #tpu.memory_space<vmem>> -> memref<1x128xi32, #tpu.memory_space<vmem>>
    %dma_wait3A_544 = tpu.memref_squeeze %dma_wait3A_543 : memref<1x128xi32, #tpu.memory_space<vmem>> -> memref<128xi32, #tpu.memory_space<vmem>>
    %dma_wait3A_545 = arith.constant 0 : i32
    %dma_wait3A_546 = tpu.memref_slice %arg4[%dma_wait3A_545] : memref<102400xf32, #tpu.memory_space<hbm>> -> memref<102400xf32, #tpu.memory_space<hbm>>
    tpu.wait_indirect_dma semaphore(%arg10 : memref<!tpu.dma_semaphore, #tpu.memory_space<semaphore_mem>>) src(%dma_wait3A_546 : memref<102400xf32, #tpu.memory_space<hbm>>) dst(%dma_wait3A_541 : memref<128xf32, #tpu.memory_space<vmem>>)
    %scan3A_547 = arith.constant 0 : i32
    %scan3A_548 = arith.constant 8 : i32
    %scan3A_549 = arith.addi %scan3A_547, %scan3A_548 : i32
    %scan3A_550 = arith.constant 1 : i32
    %scan3A_551 = scf.for %scan3A_684 = %scan3A_547 to %scan3A_549 step %scan3A_550 iter_args(%scan3A_685 = %scan3A_535) -> (vector<16xf32>)  : i32 {
      %mul3A_686 = arith.constant 3200 : i32
      %mul3A_687 = arith.muli %add3A, %mul3A_686 : i32
      %add3A_688 = arith.constant 2048 : i32
      %add3A_689 = arith.addi %mul3A_687, %add3A_688 : i32
      %mul3A_690 = arith.constant 16 : i32
      %mul3A_691 = arith.muli %scan3A_684, %mul3A_690 : i32
      %add3A_692 = arith.addi %add3A_689, %mul3A_691 : i32
      %add3A_693 = vector.broadcast %add3A_692 : i32 to vector<16xi32>
      %add3A_694 = arith.addi %add3A_693, %iota3A : vector<16xi32>
      %mul3A_695 = arith.constant 16 : i32
      %mul3A_696 = arith.muli %scan3A_684, %mul3A_695 : i32
      %get3A = arith.constant 16 : i32
      %get3A_697 = arith.index_cast %get3A : i32 to index
      %get3A_698 = arith.index_cast %mul3A_696 : i32 to index
      %get3A_699 = tpu.vector_load %arg8[%get3A_697, %get3A_698] {strides = array<i32>} : memref<25x128xf32, #tpu.memory_space<vmem>>, vector<1x16xf32>,
      %get3A_700 = vector.shape_cast %get3A_699 : vector<1x16xf32> to vector<16xf32>
      %mul3A_701 = arith.constant 16 : i32
      %mul3A_702 = arith.muli %scan3A_684, %mul3A_701 : i32
      %get3A_703 = arith.constant 16 : i32
      %get3A_704 = arith.index_cast %get3A_703 : i32 to index
      %get3A_705 = arith.index_cast %mul3A_702 : i32 to index
      %get3A_706 = tpu.vector_load %arg7[%get3A_704, %get3A_705] {strides = array<i32>} : memref<25x128xf32, #tpu.memory_space<vmem>>, vector<1x16xf32>,
      %get3A_707 = vector.shape_cast %get3A_706 : vector<1x16xf32> to vector<16xf32>
      %lt3A = arith.constant 100000 : i32
      %lt3A_708 = vector.broadcast %lt3A : i32 to vector<16xi32>
      %lt3A_709 = arith.cmpi slt, %add3A_694, %lt3A_708 : vector<16xi32>
      %jit3A = arith.constant 0.000000e+00 : f32
      %broadcast_in_dim3A_710 = vector.broadcast %jit3A : f32 to vector<16xf32>
      %select_n3A = arith.select %lt3A_709, %get3A_707, %broadcast_in_dim3A_710 : vector<16xi1>, vector<16xf32>
      %mul3A_711 = arith.mulf %get3A_700, %select_n3A : vector<16xf32>
      %add3A_712 = arith.addf %scan3A_685, %mul3A_711 : vector<16xf32>
      scf.yield %add3A_712 : vector<16xf32>
    }
    %scan3A_552 = arith.constant 8 : i32
    %dma_wait3A_553 = arith.constant 17 : i32
    %dma_wait3A_554 = arith.constant 17 : i32
    %dma_wait3A_555 = arith.constant 0 : i32
    %dma_wait3A_556 = tpu.memref_slice %arg8[%dma_wait3A_554, %dma_wait3A_555] : memref<25x128xf32, #tpu.memory_space<vmem>> -> memref<1x128xf32, #tpu.memory_space<vmem>>
    %dma_wait3A_557 = tpu.memref_squeeze %dma_wait3A_556 : memref<1x128xf32, #tpu.memory_space<vmem>> -> memref<128xf32, #tpu.memory_space<vmem>>
    %dma_wait3A_558 = arith.constant 0 : i32
    %dma_wait3A_559 = tpu.memref_slice %arg6[%dma_wait3A_553, %dma_wait3A_558] : memref<25x128xi32, #tpu.memory_space<vmem>> -> memref<1x128xi32, #tpu.memory_space<vmem>>
    %dma_wait3A_560 = tpu.memref_squeeze %dma_wait3A_559 : memref<1x128xi32, #tpu.memory_space<vmem>> -> memref<128xi32, #tpu.memory_space<vmem>>
    %dma_wait3A_561 = arith.constant 0 : i32
    %dma_wait3A_562 = tpu.memref_slice %arg4[%dma_wait3A_561] : memref<102400xf32, #tpu.memory_space<hbm>> -> memref<102400xf32, #tpu.memory_space<hbm>>
    tpu.wait_indirect_dma semaphore(%arg10 : memref<!tpu.dma_semaphore, #tpu.memory_space<semaphore_mem>>) src(%dma_wait3A_562 : memref<102400xf32, #tpu.memory_space<hbm>>) dst(%dma_wait3A_557 : memref<128xf32, #tpu.memory_space<vmem>>)
    %scan3A_563 = arith.constant 0 : i32
    %scan3A_564 = arith.constant 8 : i32
    %scan3A_565 = arith.addi %scan3A_563, %scan3A_564 : i32
    %scan3A_566 = arith.constant 1 : i32
    %scan3A_567 = scf.for %scan3A_684 = %scan3A_563 to %scan3A_565 step %scan3A_566 iter_args(%scan3A_685 = %scan3A_551) -> (vector<16xf32>)  : i32 {
      %mul3A_686 = arith.constant 3200 : i32
      %mul3A_687 = arith.muli %add3A, %mul3A_686 : i32
      %add3A_688 = arith.constant 2176 : i32
      %add3A_689 = arith.addi %mul3A_687, %add3A_688 : i32
      %mul3A_690 = arith.constant 16 : i32
      %mul3A_691 = arith.muli %scan3A_684, %mul3A_690 : i32
      %add3A_692 = arith.addi %add3A_689, %mul3A_691 : i32
      %add3A_693 = vector.broadcast %add3A_692 : i32 to vector<16xi32>
      %add3A_694 = arith.addi %add3A_693, %iota3A : vector<16xi32>
      %mul3A_695 = arith.constant 16 : i32
      %mul3A_696 = arith.muli %scan3A_684, %mul3A_695 : i32
      %get3A = arith.constant 17 : i32
      %get3A_697 = arith.index_cast %get3A : i32 to index
      %get3A_698 = arith.index_cast %mul3A_696 : i32 to index
      %get3A_699 = tpu.vector_load %arg8[%get3A_697, %get3A_698] {strides = array<i32>} : memref<25x128xf32, #tpu.memory_space<vmem>>, vector<1x16xf32>,
      %get3A_700 = vector.shape_cast %get3A_699 : vector<1x16xf32> to vector<16xf32>
      %mul3A_701 = arith.constant 16 : i32
      %mul3A_702 = arith.muli %scan3A_684, %mul3A_701 : i32
      %get3A_703 = arith.constant 17 : i32
      %get3A_704 = arith.index_cast %get3A_703 : i32 to index
      %get3A_705 = arith.index_cast %mul3A_702 : i32 to index
      %get3A_706 = tpu.vector_load %arg7[%get3A_704, %get3A_705] {strides = array<i32>} : memref<25x128xf32, #tpu.memory_space<vmem>>, vector<1x16xf32>,
      %get3A_707 = vector.shape_cast %get3A_706 : vector<1x16xf32> to vector<16xf32>
      %lt3A = arith.constant 100000 : i32
      %lt3A_708 = vector.broadcast %lt3A : i32 to vector<16xi32>
      %lt3A_709 = arith.cmpi slt, %add3A_694, %lt3A_708 : vector<16xi32>
      %jit3A = arith.constant 0.000000e+00 : f32
      %broadcast_in_dim3A_710 = vector.broadcast %jit3A : f32 to vector<16xf32>
      %select_n3A = arith.select %lt3A_709, %get3A_707, %broadcast_in_dim3A_710 : vector<16xi1>, vector<16xf32>
      %mul3A_711 = arith.mulf %get3A_700, %select_n3A : vector<16xf32>
      %add3A_712 = arith.addf %scan3A_685, %mul3A_711 : vector<16xf32>
      scf.yield %add3A_712 : vector<16xf32>
    }
    %scan3A_568 = arith.constant 8 : i32
    %dma_wait3A_569 = arith.constant 18 : i32
    %dma_wait3A_570 = arith.constant 18 : i32
    %dma_wait3A_571 = arith.constant 0 : i32
    %dma_wait3A_572 = tpu.memref_slice %arg8[%dma_wait3A_570, %dma_wait3A_571] : memref<25x128xf32, #tpu.memory_space<vmem>> -> memref<1x128xf32, #tpu.memory_space<vmem>>
    %dma_wait3A_573 = tpu.memref_squeeze %dma_wait3A_572 : memref<1x128xf32, #tpu.memory_space<vmem>> -> memref<128xf32, #tpu.memory_space<vmem>>
    %dma_wait3A_574 = arith.constant 0 : i32
    %dma_wait3A_575 = tpu.memref_slice %arg6[%dma_wait3A_569, %dma_wait3A_574] : memref<25x128xi32, #tpu.memory_space<vmem>> -> memref<1x128xi32, #tpu.memory_space<vmem>>
    %dma_wait3A_576 = tpu.memref_squeeze %dma_wait3A_575 : memref<1x128xi32, #tpu.memory_space<vmem>> -> memref<128xi32, #tpu.memory_space<vmem>>
    %dma_wait3A_577 = arith.constant 0 : i32
    %dma_wait3A_578 = tpu.memref_slice %arg4[%dma_wait3A_577] : memref<102400xf32, #tpu.memory_space<hbm>> -> memref<102400xf32, #tpu.memory_space<hbm>>
    tpu.wait_indirect_dma semaphore(%arg10 : memref<!tpu.dma_semaphore, #tpu.memory_space<semaphore_mem>>) src(%dma_wait3A_578 : memref<102400xf32, #tpu.memory_space<hbm>>) dst(%dma_wait3A_573 : memref<128xf32, #tpu.memory_space<vmem>>)
    %scan3A_579 = arith.constant 0 : i32
    %scan3A_580 = arith.constant 8 : i32
    %scan3A_581 = arith.addi %scan3A_579, %scan3A_580 : i32
    %scan3A_582 = arith.constant 1 : i32
    %scan3A_583 = scf.for %scan3A_684 = %scan3A_579 to %scan3A_581 step %scan3A_582 iter_args(%scan3A_685 = %scan3A_567) -> (vector<16xf32>)  : i32 {
      %mul3A_686 = arith.constant 3200 : i32
      %mul3A_687 = arith.muli %add3A, %mul3A_686 : i32
      %add3A_688 = arith.constant 2304 : i32
      %add3A_689 = arith.addi %mul3A_687, %add3A_688 : i32
      %mul3A_690 = arith.constant 16 : i32
      %mul3A_691 = arith.muli %scan3A_684, %mul3A_690 : i32
      %add3A_692 = arith.addi %add3A_689, %mul3A_691 : i32
      %add3A_693 = vector.broadcast %add3A_692 : i32 to vector<16xi32>
      %add3A_694 = arith.addi %add3A_693, %iota3A : vector<16xi32>
      %mul3A_695 = arith.constant 16 : i32
      %mul3A_696 = arith.muli %scan3A_684, %mul3A_695 : i32
      %get3A = arith.constant 18 : i32
      %get3A_697 = arith.index_cast %get3A : i32 to index
      %get3A_698 = arith.index_cast %mul3A_696 : i32 to index
      %get3A_699 = tpu.vector_load %arg8[%get3A_697, %get3A_698] {strides = array<i32>} : memref<25x128xf32, #tpu.memory_space<vmem>>, vector<1x16xf32>,
      %get3A_700 = vector.shape_cast %get3A_699 : vector<1x16xf32> to vector<16xf32>
      %mul3A_701 = arith.constant 16 : i32
      %mul3A_702 = arith.muli %scan3A_684, %mul3A_701 : i32
      %get3A_703 = arith.constant 18 : i32
      %get3A_704 = arith.index_cast %get3A_703 : i32 to index
      %get3A_705 = arith.index_cast %mul3A_702 : i32 to index
      %get3A_706 = tpu.vector_load %arg7[%get3A_704, %get3A_705] {strides = array<i32>} : memref<25x128xf32, #tpu.memory_space<vmem>>, vector<1x16xf32>,
      %get3A_707 = vector.shape_cast %get3A_706 : vector<1x16xf32> to vector<16xf32>
      %lt3A = arith.constant 100000 : i32
      %lt3A_708 = vector.broadcast %lt3A : i32 to vector<16xi32>
      %lt3A_709 = arith.cmpi slt, %add3A_694, %lt3A_708 : vector<16xi32>
      %jit3A = arith.constant 0.000000e+00 : f32
      %broadcast_in_dim3A_710 = vector.broadcast %jit3A : f32 to vector<16xf32>
      %select_n3A = arith.select %lt3A_709, %get3A_707, %broadcast_in_dim3A_710 : vector<16xi1>, vector<16xf32>
      %mul3A_711 = arith.mulf %get3A_700, %select_n3A : vector<16xf32>
      %add3A_712 = arith.addf %scan3A_685, %mul3A_711 : vector<16xf32>
      scf.yield %add3A_712 : vector<16xf32>
    }
    %scan3A_584 = arith.constant 8 : i32
    %dma_wait3A_585 = arith.constant 19 : i32
    %dma_wait3A_586 = arith.constant 19 : i32
    %dma_wait3A_587 = arith.constant 0 : i32
    %dma_wait3A_588 = tpu.memref_slice %arg8[%dma_wait3A_586, %dma_wait3A_587] : memref<25x128xf32, #tpu.memory_space<vmem>> -> memref<1x128xf32, #tpu.memory_space<vmem>>
    %dma_wait3A_589 = tpu.memref_squeeze %dma_wait3A_588 : memref<1x128xf32, #tpu.memory_space<vmem>> -> memref<128xf32, #tpu.memory_space<vmem>>
    %dma_wait3A_590 = arith.constant 0 : i32
    %dma_wait3A_591 = tpu.memref_slice %arg6[%dma_wait3A_585, %dma_wait3A_590] : memref<25x128xi32, #tpu.memory_space<vmem>> -> memref<1x128xi32, #tpu.memory_space<vmem>>
    %dma_wait3A_592 = tpu.memref_squeeze %dma_wait3A_591 : memref<1x128xi32, #tpu.memory_space<vmem>> -> memref<128xi32, #tpu.memory_space<vmem>>
    %dma_wait3A_593 = arith.constant 0 : i32
    %dma_wait3A_594 = tpu.memref_slice %arg4[%dma_wait3A_593] : memref<102400xf32, #tpu.memory_space<hbm>> -> memref<102400xf32, #tpu.memory_space<hbm>>
    tpu.wait_indirect_dma semaphore(%arg10 : memref<!tpu.dma_semaphore, #tpu.memory_space<semaphore_mem>>) src(%dma_wait3A_594 : memref<102400xf32, #tpu.memory_space<hbm>>) dst(%dma_wait3A_589 : memref<128xf32, #tpu.memory_space<vmem>>)
    %scan3A_595 = arith.constant 0 : i32
    %scan3A_596 = arith.constant 8 : i32
    %scan3A_597 = arith.addi %scan3A_595, %scan3A_596 : i32
    %scan3A_598 = arith.constant 1 : i32
    %scan3A_599 = scf.for %scan3A_684 = %scan3A_595 to %scan3A_597 step %scan3A_598 iter_args(%scan3A_685 = %scan3A_583) -> (vector<16xf32>)  : i32 {
      %mul3A_686 = arith.constant 3200 : i32
      %mul3A_687 = arith.muli %add3A, %mul3A_686 : i32
      %add3A_688 = arith.constant 2432 : i32
      %add3A_689 = arith.addi %mul3A_687, %add3A_688 : i32
      %mul3A_690 = arith.constant 16 : i32
      %mul3A_691 = arith.muli %scan3A_684, %mul3A_690 : i32
      %add3A_692 = arith.addi %add3A_689, %mul3A_691 : i32
      %add3A_693 = vector.broadcast %add3A_692 : i32 to vector<16xi32>
      %add3A_694 = arith.addi %add3A_693, %iota3A : vector<16xi32>
      %mul3A_695 = arith.constant 16 : i32
      %mul3A_696 = arith.muli %scan3A_684, %mul3A_695 : i32
      %get3A = arith.constant 19 : i32
      %get3A_697 = arith.index_cast %get3A : i32 to index
      %get3A_698 = arith.index_cast %mul3A_696 : i32 to index
      %get3A_699 = tpu.vector_load %arg8[%get3A_697, %get3A_698] {strides = array<i32>} : memref<25x128xf32, #tpu.memory_space<vmem>>, vector<1x16xf32>,
      %get3A_700 = vector.shape_cast %get3A_699 : vector<1x16xf32> to vector<16xf32>
      %mul3A_701 = arith.constant 16 : i32
      %mul3A_702 = arith.muli %scan3A_684, %mul3A_701 : i32
      %get3A_703 = arith.constant 19 : i32
      %get3A_704 = arith.index_cast %get3A_703 : i32 to index
      %get3A_705 = arith.index_cast %mul3A_702 : i32 to index
      %get3A_706 = tpu.vector_load %arg7[%get3A_704, %get3A_705] {strides = array<i32>} : memref<25x128xf32, #tpu.memory_space<vmem>>, vector<1x16xf32>,
      %get3A_707 = vector.shape_cast %get3A_706 : vector<1x16xf32> to vector<16xf32>
      %lt3A = arith.constant 100000 : i32
      %lt3A_708 = vector.broadcast %lt3A : i32 to vector<16xi32>
      %lt3A_709 = arith.cmpi slt, %add3A_694, %lt3A_708 : vector<16xi32>
      %jit3A = arith.constant 0.000000e+00 : f32
      %broadcast_in_dim3A_710 = vector.broadcast %jit3A : f32 to vector<16xf32>
      %select_n3A = arith.select %lt3A_709, %get3A_707, %broadcast_in_dim3A_710 : vector<16xi1>, vector<16xf32>
      %mul3A_711 = arith.mulf %get3A_700, %select_n3A : vector<16xf32>
      %add3A_712 = arith.addf %scan3A_685, %mul3A_711 : vector<16xf32>
      scf.yield %add3A_712 : vector<16xf32>
    }
    %scan3A_600 = arith.constant 8 : i32
    %dma_wait3A_601 = arith.constant 20 : i32
    %dma_wait3A_602 = arith.constant 20 : i32
    %dma_wait3A_603 = arith.constant 0 : i32
    %dma_wait3A_604 = tpu.memref_slice %arg8[%dma_wait3A_602, %dma_wait3A_603] : memref<25x128xf32, #tpu.memory_space<vmem>> -> memref<1x128xf32, #tpu.memory_space<vmem>>
    %dma_wait3A_605 = tpu.memref_squeeze %dma_wait3A_604 : memref<1x128xf32, #tpu.memory_space<vmem>> -> memref<128xf32, #tpu.memory_space<vmem>>
    %dma_wait3A_606 = arith.constant 0 : i32
    %dma_wait3A_607 = tpu.memref_slice %arg6[%dma_wait3A_601, %dma_wait3A_606] : memref<25x128xi32, #tpu.memory_space<vmem>> -> memref<1x128xi32, #tpu.memory_space<vmem>>
    %dma_wait3A_608 = tpu.memref_squeeze %dma_wait3A_607 : memref<1x128xi32, #tpu.memory_space<vmem>> -> memref<128xi32, #tpu.memory_space<vmem>>
    %dma_wait3A_609 = arith.constant 0 : i32
    %dma_wait3A_610 = tpu.memref_slice %arg4[%dma_wait3A_609] : memref<102400xf32, #tpu.memory_space<hbm>> -> memref<102400xf32, #tpu.memory_space<hbm>>
    tpu.wait_indirect_dma semaphore(%arg10 : memref<!tpu.dma_semaphore, #tpu.memory_space<semaphore_mem>>) src(%dma_wait3A_610 : memref<102400xf32, #tpu.memory_space<hbm>>) dst(%dma_wait3A_605 : memref<128xf32, #tpu.memory_space<vmem>>)
    %scan3A_611 = arith.constant 0 : i32
    %scan3A_612 = arith.constant 8 : i32
    %scan3A_613 = arith.addi %scan3A_611, %scan3A_612 : i32
    %scan3A_614 = arith.constant 1 : i32
    %scan3A_615 = scf.for %scan3A_684 = %scan3A_611 to %scan3A_613 step %scan3A_614 iter_args(%scan3A_685 = %scan3A_599) -> (vector<16xf32>)  : i32 {
      %mul3A_686 = arith.constant 3200 : i32
      %mul3A_687 = arith.muli %add3A, %mul3A_686 : i32
      %add3A_688 = arith.constant 2560 : i32
      %add3A_689 = arith.addi %mul3A_687, %add3A_688 : i32
      %mul3A_690 = arith.constant 16 : i32
      %mul3A_691 = arith.muli %scan3A_684, %mul3A_690 : i32
      %add3A_692 = arith.addi %add3A_689, %mul3A_691 : i32
      %add3A_693 = vector.broadcast %add3A_692 : i32 to vector<16xi32>
      %add3A_694 = arith.addi %add3A_693, %iota3A : vector<16xi32>
      %mul3A_695 = arith.constant 16 : i32
      %mul3A_696 = arith.muli %scan3A_684, %mul3A_695 : i32
      %get3A = arith.constant 20 : i32
      %get3A_697 = arith.index_cast %get3A : i32 to index
      %get3A_698 = arith.index_cast %mul3A_696 : i32 to index
      %get3A_699 = tpu.vector_load %arg8[%get3A_697, %get3A_698] {strides = array<i32>} : memref<25x128xf32, #tpu.memory_space<vmem>>, vector<1x16xf32>,
      %get3A_700 = vector.shape_cast %get3A_699 : vector<1x16xf32> to vector<16xf32>
      %mul3A_701 = arith.constant 16 : i32
      %mul3A_702 = arith.muli %scan3A_684, %mul3A_701 : i32
      %get3A_703 = arith.constant 20 : i32
      %get3A_704 = arith.index_cast %get3A_703 : i32 to index
      %get3A_705 = arith.index_cast %mul3A_702 : i32 to index
      %get3A_706 = tpu.vector_load %arg7[%get3A_704, %get3A_705] {strides = array<i32>} : memref<25x128xf32, #tpu.memory_space<vmem>>, vector<1x16xf32>,
      %get3A_707 = vector.shape_cast %get3A_706 : vector<1x16xf32> to vector<16xf32>
      %lt3A = arith.constant 100000 : i32
      %lt3A_708 = vector.broadcast %lt3A : i32 to vector<16xi32>
      %lt3A_709 = arith.cmpi slt, %add3A_694, %lt3A_708 : vector<16xi32>
      %jit3A = arith.constant 0.000000e+00 : f32
      %broadcast_in_dim3A_710 = vector.broadcast %jit3A : f32 to vector<16xf32>
      %select_n3A = arith.select %lt3A_709, %get3A_707, %broadcast_in_dim3A_710 : vector<16xi1>, vector<16xf32>
      %mul3A_711 = arith.mulf %get3A_700, %select_n3A : vector<16xf32>
      %add3A_712 = arith.addf %scan3A_685, %mul3A_711 : vector<16xf32>
      scf.yield %add3A_712 : vector<16xf32>
    }
    %scan3A_616 = arith.constant 8 : i32
    %dma_wait3A_617 = arith.constant 21 : i32
    %dma_wait3A_618 = arith.constant 21 : i32
    %dma_wait3A_619 = arith.constant 0 : i32
    %dma_wait3A_620 = tpu.memref_slice %arg8[%dma_wait3A_618, %dma_wait3A_619] : memref<25x128xf32, #tpu.memory_space<vmem>> -> memref<1x128xf32, #tpu.memory_space<vmem>>
    %dma_wait3A_621 = tpu.memref_squeeze %dma_wait3A_620 : memref<1x128xf32, #tpu.memory_space<vmem>> -> memref<128xf32, #tpu.memory_space<vmem>>
    %dma_wait3A_622 = arith.constant 0 : i32
    %dma_wait3A_623 = tpu.memref_slice %arg6[%dma_wait3A_617, %dma_wait3A_622] : memref<25x128xi32, #tpu.memory_space<vmem>> -> memref<1x128xi32, #tpu.memory_space<vmem>>
    %dma_wait3A_624 = tpu.memref_squeeze %dma_wait3A_623 : memref<1x128xi32, #tpu.memory_space<vmem>> -> memref<128xi32, #tpu.memory_space<vmem>>
    %dma_wait3A_625 = arith.constant 0 : i32
    %dma_wait3A_626 = tpu.memref_slice %arg4[%dma_wait3A_625] : memref<102400xf32, #tpu.memory_space<hbm>> -> memref<102400xf32, #tpu.memory_space<hbm>>
    tpu.wait_indirect_dma semaphore(%arg10 : memref<!tpu.dma_semaphore, #tpu.memory_space<semaphore_mem>>) src(%dma_wait3A_626 : memref<102400xf32, #tpu.memory_space<hbm>>) dst(%dma_wait3A_621 : memref<128xf32, #tpu.memory_space<vmem>>)
    %scan3A_627 = arith.constant 0 : i32
    %scan3A_628 = arith.constant 8 : i32
    %scan3A_629 = arith.addi %scan3A_627, %scan3A_628 : i32
    %scan3A_630 = arith.constant 1 : i32
    %scan3A_631 = scf.for %scan3A_684 = %scan3A_627 to %scan3A_629 step %scan3A_630 iter_args(%scan3A_685 = %scan3A_615) -> (vector<16xf32>)  : i32 {
      %mul3A_686 = arith.constant 3200 : i32
      %mul3A_687 = arith.muli %add3A, %mul3A_686 : i32
      %add3A_688 = arith.constant 2688 : i32
      %add3A_689 = arith.addi %mul3A_687, %add3A_688 : i32
      %mul3A_690 = arith.constant 16 : i32
      %mul3A_691 = arith.muli %scan3A_684, %mul3A_690 : i32
      %add3A_692 = arith.addi %add3A_689, %mul3A_691 : i32
      %add3A_693 = vector.broadcast %add3A_692 : i32 to vector<16xi32>
      %add3A_694 = arith.addi %add3A_693, %iota3A : vector<16xi32>
      %mul3A_695 = arith.constant 16 : i32
      %mul3A_696 = arith.muli %scan3A_684, %mul3A_695 : i32
      %get3A = arith.constant 21 : i32
      %get3A_697 = arith.index_cast %get3A : i32 to index
      %get3A_698 = arith.index_cast %mul3A_696 : i32 to index
      %get3A_699 = tpu.vector_load %arg8[%get3A_697, %get3A_698] {strides = array<i32>} : memref<25x128xf32, #tpu.memory_space<vmem>>, vector<1x16xf32>,
      %get3A_700 = vector.shape_cast %get3A_699 : vector<1x16xf32> to vector<16xf32>
      %mul3A_701 = arith.constant 16 : i32
      %mul3A_702 = arith.muli %scan3A_684, %mul3A_701 : i32
      %get3A_703 = arith.constant 21 : i32
      %get3A_704 = arith.index_cast %get3A_703 : i32 to index
      %get3A_705 = arith.index_cast %mul3A_702 : i32 to index
      %get3A_706 = tpu.vector_load %arg7[%get3A_704, %get3A_705] {strides = array<i32>} : memref<25x128xf32, #tpu.memory_space<vmem>>, vector<1x16xf32>,
      %get3A_707 = vector.shape_cast %get3A_706 : vector<1x16xf32> to vector<16xf32>
      %lt3A = arith.constant 100000 : i32
      %lt3A_708 = vector.broadcast %lt3A : i32 to vector<16xi32>
      %lt3A_709 = arith.cmpi slt, %add3A_694, %lt3A_708 : vector<16xi32>
      %jit3A = arith.constant 0.000000e+00 : f32
      %broadcast_in_dim3A_710 = vector.broadcast %jit3A : f32 to vector<16xf32>
      %select_n3A = arith.select %lt3A_709, %get3A_707, %broadcast_in_dim3A_710 : vector<16xi1>, vector<16xf32>
      %mul3A_711 = arith.mulf %get3A_700, %select_n3A : vector<16xf32>
      %add3A_712 = arith.addf %scan3A_685, %mul3A_711 : vector<16xf32>
      scf.yield %add3A_712 : vector<16xf32>
    }
    %scan3A_632 = arith.constant 8 : i32
    %dma_wait3A_633 = arith.constant 22 : i32
    %dma_wait3A_634 = arith.constant 22 : i32
    %dma_wait3A_635 = arith.constant 0 : i32
    %dma_wait3A_636 = tpu.memref_slice %arg8[%dma_wait3A_634, %dma_wait3A_635] : memref<25x128xf32, #tpu.memory_space<vmem>> -> memref<1x128xf32, #tpu.memory_space<vmem>>
    %dma_wait3A_637 = tpu.memref_squeeze %dma_wait3A_636 : memref<1x128xf32, #tpu.memory_space<vmem>> -> memref<128xf32, #tpu.memory_space<vmem>>
    %dma_wait3A_638 = arith.constant 0 : i32
    %dma_wait3A_639 = tpu.memref_slice %arg6[%dma_wait3A_633, %dma_wait3A_638] : memref<25x128xi32, #tpu.memory_space<vmem>> -> memref<1x128xi32, #tpu.memory_space<vmem>>
    %dma_wait3A_640 = tpu.memref_squeeze %dma_wait3A_639 : memref<1x128xi32, #tpu.memory_space<vmem>> -> memref<128xi32, #tpu.memory_space<vmem>>
    %dma_wait3A_641 = arith.constant 0 : i32
    %dma_wait3A_642 = tpu.memref_slice %arg4[%dma_wait3A_641] : memref<102400xf32, #tpu.memory_space<hbm>> -> memref<102400xf32, #tpu.memory_space<hbm>>
    tpu.wait_indirect_dma semaphore(%arg10 : memref<!tpu.dma_semaphore, #tpu.memory_space<semaphore_mem>>) src(%dma_wait3A_642 : memref<102400xf32, #tpu.memory_space<hbm>>) dst(%dma_wait3A_637 : memref<128xf32, #tpu.memory_space<vmem>>)
    %scan3A_643 = arith.constant 0 : i32
    %scan3A_644 = arith.constant 8 : i32
    %scan3A_645 = arith.addi %scan3A_643, %scan3A_644 : i32
    %scan3A_646 = arith.constant 1 : i32
    %scan3A_647 = scf.for %scan3A_684 = %scan3A_643 to %scan3A_645 step %scan3A_646 iter_args(%scan3A_685 = %scan3A_631) -> (vector<16xf32>)  : i32 {
      %mul3A_686 = arith.constant 3200 : i32
      %mul3A_687 = arith.muli %add3A, %mul3A_686 : i32
      %add3A_688 = arith.constant 2816 : i32
      %add3A_689 = arith.addi %mul3A_687, %add3A_688 : i32
      %mul3A_690 = arith.constant 16 : i32
      %mul3A_691 = arith.muli %scan3A_684, %mul3A_690 : i32
      %add3A_692 = arith.addi %add3A_689, %mul3A_691 : i32
      %add3A_693 = vector.broadcast %add3A_692 : i32 to vector<16xi32>
      %add3A_694 = arith.addi %add3A_693, %iota3A : vector<16xi32>
      %mul3A_695 = arith.constant 16 : i32
      %mul3A_696 = arith.muli %scan3A_684, %mul3A_695 : i32
      %get3A = arith.constant 22 : i32
      %get3A_697 = arith.index_cast %get3A : i32 to index
      %get3A_698 = arith.index_cast %mul3A_696 : i32 to index
      %get3A_699 = tpu.vector_load %arg8[%get3A_697, %get3A_698] {strides = array<i32>} : memref<25x128xf32, #tpu.memory_space<vmem>>, vector<1x16xf32>,
      %get3A_700 = vector.shape_cast %get3A_699 : vector<1x16xf32> to vector<16xf32>
      %mul3A_701 = arith.constant 16 : i32
      %mul3A_702 = arith.muli %scan3A_684, %mul3A_701 : i32
      %get3A_703 = arith.constant 22 : i32
      %get3A_704 = arith.index_cast %get3A_703 : i32 to index
      %get3A_705 = arith.index_cast %mul3A_702 : i32 to index
      %get3A_706 = tpu.vector_load %arg7[%get3A_704, %get3A_705] {strides = array<i32>} : memref<25x128xf32, #tpu.memory_space<vmem>>, vector<1x16xf32>,
      %get3A_707 = vector.shape_cast %get3A_706 : vector<1x16xf32> to vector<16xf32>
      %lt3A = arith.constant 100000 : i32
      %lt3A_708 = vector.broadcast %lt3A : i32 to vector<16xi32>
      %lt3A_709 = arith.cmpi slt, %add3A_694, %lt3A_708 : vector<16xi32>
      %jit3A = arith.constant 0.000000e+00 : f32
      %broadcast_in_dim3A_710 = vector.broadcast %jit3A : f32 to vector<16xf32>
      %select_n3A = arith.select %lt3A_709, %get3A_707, %broadcast_in_dim3A_710 : vector<16xi1>, vector<16xf32>
      %mul3A_711 = arith.mulf %get3A_700, %select_n3A : vector<16xf32>
      %add3A_712 = arith.addf %scan3A_685, %mul3A_711 : vector<16xf32>
      scf.yield %add3A_712 : vector<16xf32>
    }
    %scan3A_648 = arith.constant 8 : i32
    %dma_wait3A_649 = arith.constant 23 : i32
    %dma_wait3A_650 = arith.constant 23 : i32
    %dma_wait3A_651 = arith.constant 0 : i32
    %dma_wait3A_652 = tpu.memref_slice %arg8[%dma_wait3A_650, %dma_wait3A_651] : memref<25x128xf32, #tpu.memory_space<vmem>> -> memref<1x128xf32, #tpu.memory_space<vmem>>
    %dma_wait3A_653 = tpu.memref_squeeze %dma_wait3A_652 : memref<1x128xf32, #tpu.memory_space<vmem>> -> memref<128xf32, #tpu.memory_space<vmem>>
    %dma_wait3A_654 = arith.constant 0 : i32
    %dma_wait3A_655 = tpu.memref_slice %arg6[%dma_wait3A_649, %dma_wait3A_654] : memref<25x128xi32, #tpu.memory_space<vmem>> -> memref<1x128xi32, #tpu.memory_space<vmem>>
    %dma_wait3A_656 = tpu.memref_squeeze %dma_wait3A_655 : memref<1x128xi32, #tpu.memory_space<vmem>> -> memref<128xi32, #tpu.memory_space<vmem>>
    %dma_wait3A_657 = arith.constant 0 : i32
    %dma_wait3A_658 = tpu.memref_slice %arg4[%dma_wait3A_657] : memref<102400xf32, #tpu.memory_space<hbm>> -> memref<102400xf32, #tpu.memory_space<hbm>>
    tpu.wait_indirect_dma semaphore(%arg10 : memref<!tpu.dma_semaphore, #tpu.memory_space<semaphore_mem>>) src(%dma_wait3A_658 : memref<102400xf32, #tpu.memory_space<hbm>>) dst(%dma_wait3A_653 : memref<128xf32, #tpu.memory_space<vmem>>)
    %scan3A_659 = arith.constant 0 : i32
    %scan3A_660 = arith.constant 8 : i32
    %scan3A_661 = arith.addi %scan3A_659, %scan3A_660 : i32
    %scan3A_662 = arith.constant 1 : i32
    %scan3A_663 = scf.for %scan3A_684 = %scan3A_659 to %scan3A_661 step %scan3A_662 iter_args(%scan3A_685 = %scan3A_647) -> (vector<16xf32>)  : i32 {
      %mul3A_686 = arith.constant 3200 : i32
      %mul3A_687 = arith.muli %add3A, %mul3A_686 : i32
      %add3A_688 = arith.constant 2944 : i32
      %add3A_689 = arith.addi %mul3A_687, %add3A_688 : i32
      %mul3A_690 = arith.constant 16 : i32
      %mul3A_691 = arith.muli %scan3A_684, %mul3A_690 : i32
      %add3A_692 = arith.addi %add3A_689, %mul3A_691 : i32
      %add3A_693 = vector.broadcast %add3A_692 : i32 to vector<16xi32>
      %add3A_694 = arith.addi %add3A_693, %iota3A : vector<16xi32>
      %mul3A_695 = arith.constant 16 : i32
      %mul3A_696 = arith.muli %scan3A_684, %mul3A_695 : i32
      %get3A = arith.constant 23 : i32
      %get3A_697 = arith.index_cast %get3A : i32 to index
      %get3A_698 = arith.index_cast %mul3A_696 : i32 to index
      %get3A_699 = tpu.vector_load %arg8[%get3A_697, %get3A_698] {strides = array<i32>} : memref<25x128xf32, #tpu.memory_space<vmem>>, vector<1x16xf32>,
      %get3A_700 = vector.shape_cast %get3A_699 : vector<1x16xf32> to vector<16xf32>
      %mul3A_701 = arith.constant 16 : i32
      %mul3A_702 = arith.muli %scan3A_684, %mul3A_701 : i32
      %get3A_703 = arith.constant 23 : i32
      %get3A_704 = arith.index_cast %get3A_703 : i32 to index
      %get3A_705 = arith.index_cast %mul3A_702 : i32 to index
      %get3A_706 = tpu.vector_load %arg7[%get3A_704, %get3A_705] {strides = array<i32>} : memref<25x128xf32, #tpu.memory_space<vmem>>, vector<1x16xf32>,
      %get3A_707 = vector.shape_cast %get3A_706 : vector<1x16xf32> to vector<16xf32>
      %lt3A = arith.constant 100000 : i32
      %lt3A_708 = vector.broadcast %lt3A : i32 to vector<16xi32>
      %lt3A_709 = arith.cmpi slt, %add3A_694, %lt3A_708 : vector<16xi32>
      %jit3A = arith.constant 0.000000e+00 : f32
      %broadcast_in_dim3A_710 = vector.broadcast %jit3A : f32 to vector<16xf32>
      %select_n3A = arith.select %lt3A_709, %get3A_707, %broadcast_in_dim3A_710 : vector<16xi1>, vector<16xf32>
      %mul3A_711 = arith.mulf %get3A_700, %select_n3A : vector<16xf32>
      %add3A_712 = arith.addf %scan3A_685, %mul3A_711 : vector<16xf32>
      scf.yield %add3A_712 : vector<16xf32>
    }
    %scan3A_664 = arith.constant 8 : i32
    %dma_wait3A_665 = arith.constant 24 : i32
    %dma_wait3A_666 = arith.constant 24 : i32
    %dma_wait3A_667 = arith.constant 0 : i32
    %dma_wait3A_668 = tpu.memref_slice %arg8[%dma_wait3A_666, %dma_wait3A_667] : memref<25x128xf32, #tpu.memory_space<vmem>> -> memref<1x128xf32, #tpu.memory_space<vmem>>
    %dma_wait3A_669 = tpu.memref_squeeze %dma_wait3A_668 : memref<1x128xf32, #tpu.memory_space<vmem>> -> memref<128xf32, #tpu.memory_space<vmem>>
    %dma_wait3A_670 = arith.constant 0 : i32
    %dma_wait3A_671 = tpu.memref_slice %arg6[%dma_wait3A_665, %dma_wait3A_670] : memref<25x128xi32, #tpu.memory_space<vmem>> -> memref<1x128xi32, #tpu.memory_space<vmem>>
    %dma_wait3A_672 = tpu.memref_squeeze %dma_wait3A_671 : memref<1x128xi32, #tpu.memory_space<vmem>> -> memref<128xi32, #tpu.memory_space<vmem>>
    %dma_wait3A_673 = arith.constant 0 : i32
    %dma_wait3A_674 = tpu.memref_slice %arg4[%dma_wait3A_673] : memref<102400xf32, #tpu.memory_space<hbm>> -> memref<102400xf32, #tpu.memory_space<hbm>>
    tpu.wait_indirect_dma semaphore(%arg10 : memref<!tpu.dma_semaphore, #tpu.memory_space<semaphore_mem>>) src(%dma_wait3A_674 : memref<102400xf32, #tpu.memory_space<hbm>>) dst(%dma_wait3A_669 : memref<128xf32, #tpu.memory_space<vmem>>)
    %scan3A_675 = arith.constant 0 : i32
    %scan3A_676 = arith.constant 8 : i32
    %scan3A_677 = arith.addi %scan3A_675, %scan3A_676 : i32
    %scan3A_678 = arith.constant 1 : i32
    %scan3A_679 = scf.for %scan3A_684 = %scan3A_675 to %scan3A_677 step %scan3A_678 iter_args(%scan3A_685 = %scan3A_663) -> (vector<16xf32>)  : i32 {
      %mul3A_686 = arith.constant 3200 : i32
      %mul3A_687 = arith.muli %add3A, %mul3A_686 : i32
      %add3A_688 = arith.constant 3072 : i32
      %add3A_689 = arith.addi %mul3A_687, %add3A_688 : i32
      %mul3A_690 = arith.constant 16 : i32
      %mul3A_691 = arith.muli %scan3A_684, %mul3A_690 : i32
      %add3A_692 = arith.addi %add3A_689, %mul3A_691 : i32
      %add3A_693 = vector.broadcast %add3A_692 : i32 to vector<16xi32>
      %add3A_694 = arith.addi %add3A_693, %iota3A : vector<16xi32>
      %mul3A_695 = arith.constant 16 : i32
      %mul3A_696 = arith.muli %scan3A_684, %mul3A_695 : i32
      %get3A = arith.constant 24 : i32
      %get3A_697 = arith.index_cast %get3A : i32 to index
      %get3A_698 = arith.index_cast %mul3A_696 : i32 to index
      %get3A_699 = tpu.vector_load %arg8[%get3A_697, %get3A_698] {strides = array<i32>} : memref<25x128xf32, #tpu.memory_space<vmem>>, vector<1x16xf32>,
      %get3A_700 = vector.shape_cast %get3A_699 : vector<1x16xf32> to vector<16xf32>
      %mul3A_701 = arith.constant 16 : i32
      %mul3A_702 = arith.muli %scan3A_684, %mul3A_701 : i32
      %get3A_703 = arith.constant 24 : i32
      %get3A_704 = arith.index_cast %get3A_703 : i32 to index
      %get3A_705 = arith.index_cast %mul3A_702 : i32 to index
      %get3A_706 = tpu.vector_load %arg7[%get3A_704, %get3A_705] {strides = array<i32>} : memref<25x128xf32, #tpu.memory_space<vmem>>, vector<1x16xf32>,
      %get3A_707 = vector.shape_cast %get3A_706 : vector<1x16xf32> to vector<16xf32>
      %lt3A = arith.constant 100000 : i32
      %lt3A_708 = vector.broadcast %lt3A : i32 to vector<16xi32>
      %lt3A_709 = arith.cmpi slt, %add3A_694, %lt3A_708 : vector<16xi32>
      %jit3A = arith.constant 0.000000e+00 : f32
      %broadcast_in_dim3A_710 = vector.broadcast %jit3A : f32 to vector<16xf32>
      %select_n3A = arith.select %lt3A_709, %get3A_707, %broadcast_in_dim3A_710 : vector<16xi1>, vector<16xf32>
      %mul3A_711 = arith.mulf %get3A_700, %select_n3A : vector<16xf32>
      %add3A_712 = arith.addf %scan3A_685, %mul3A_711 : vector<16xf32>
      scf.yield %add3A_712 : vector<16xf32>
    }
    %scan3A_680 = arith.constant 8 : i32
    %swap3A = arith.constant 0 : index
    %swap3A_681 = tpu.vector_load %arg9[%swap3A] {strides = array<i32>} : memref<16xf32, #tpu.memory_space<vmem>>, vector<16xf32>,
    %swap3A_682 = vector.shape_cast %swap3A_681 : vector<16xf32> to vector<16xf32>
    %swap3A_683 = vector.shape_cast %scan3A_679 : vector<16xf32> to vector<16xf32>
    tpu.vector_store %arg9[%swap3A], %swap3A_683 {strides = array<i32>} : memref<16xf32, #tpu.memory_space<vmem>>, vector<16xf32>,
    "tpu.region"() ({
      %run_scoped3A = tpu.sem_alloc : memref<!tpu.dma_semaphore, #tpu.memory_space<semaphore_mem>>
      %dma_start3A_684 = arith.constant 0 : i32
      %dma_start3A_685 = tpu.memref_slice %arg5[%add3A, %dma_start3A_684] : memref<32x16xf32, #tpu.memory_space<hbm>> -> memref<1x16xf32, #tpu.memory_space<hbm>>
      %dma_start3A_686 = tpu.memref_squeeze %dma_start3A_685 : memref<1x16xf32, #tpu.memory_space<hbm>> -> memref<16xf32, #tpu.memory_space<hbm>>
      %dma_start3A_687 = arith.constant 0 : i32
      %dma_start3A_688 = tpu.memref_slice %arg5[%add3A, %dma_start3A_687] : memref<32x16xf32, #tpu.memory_space<hbm>> -> memref<1x16xf32, #tpu.memory_space<hbm>>
      %dma_start3A_689 = tpu.memref_squeeze %dma_start3A_688 : memref<1x16xf32, #tpu.memory_space<hbm>> -> memref<16xf32, #tpu.memory_space<hbm>>
      tpu.enqueue_dma source(%arg9 : memref<16xf32, #tpu.memory_space<vmem>>) target(%dma_start3A_689 : memref<16xf32, #tpu.memory_space<hbm>>) target_semaphore(%run_scoped3A : memref<!tpu.dma_semaphore, #tpu.memory_space<semaphore_mem>>)
      %dma_wait3A_690 = arith.constant 0 : i32
      %dma_wait3A_691 = tpu.memref_slice %arg5[%add3A, %dma_wait3A_690] : memref<32x16xf32, #tpu.memory_space<hbm>> -> memref<1x16xf32, #tpu.memory_space<hbm>>
      %dma_wait3A_692 = tpu.memref_squeeze %dma_wait3A_691 : memref<1x16xf32, #tpu.memory_space<hbm>> -> memref<16xf32, #tpu.memory_space<hbm>>
      %dma_wait3A_693 = arith.constant 0 : i32
      %dma_wait3A_694 = tpu.memref_slice %arg5[%add3A, %dma_wait3A_693] : memref<32x16xf32, #tpu.memory_space<hbm>> -> memref<1x16xf32, #tpu.memory_space<hbm>>
      %dma_wait3A_695 = tpu.memref_squeeze %dma_wait3A_694 : memref<1x16xf32, #tpu.memory_space<hbm>> -> memref<16xf32, #tpu.memory_space<hbm>>
      tpu.wait_dma2 semaphore(%run_scoped3A : memref<!tpu.dma_semaphore, #tpu.memory_space<semaphore_mem>>) src(%arg9 : memref<16xf32, #tpu.memory_space<vmem>>) dst(%dma_wait3A_695 : memref<16xf32, #tpu.memory_space<hbm>>)
      tpu.yield
    }) : () -> ()
    return
  }
}

module attributes {stable_mosaic.version = 14 : i64} {
  func.func @_pass1_body(%arg0: i32, %arg1: memref<12800x128xf32, #tpu.memory_space<vmem>>, %arg2: memref<128x12800xf32, #tpu.memory_space<vmem>>, %arg3: memref<1x128xf32, #tpu.memory_space<vmem>>, %arg4: memref<1x12800xf32, #tpu.memory_space<vmem>>, %arg5: memref<1x12800xf32, #tpu.memory_space<vmem>>) attributes {dimension_semantics = [#tpu.dimension_semantics<arbitrary>], iteration_bounds = array<i64: 8>, scalar_prefetch = 0 : i64, scratch_operands = 0 : i64, tpu.core_type = #tpu.core_type<tc>, window_params = [{transform_indices = @transform_0, window_bounds = array<i64: 12800, 128>}, {transform_indices = @transform_1, window_bounds = array<i64: 128, 12800>}, {pipeline_mode = #tpu.pipeline_mode<synchronous>, transform_indices = @transform_2, window_bounds = array<i64: 1, 128>}, {transform_indices = @transform_3, window_bounds = array<i64: 1, 12800>}, {transform_indices = @transform_4, window_bounds = array<i64: 1, 12800>}]} {
    %get3A = arith.constant 0 : index
    %get3A_0 = arith.constant 0 : index
    %get3A_1 = vector.load %arg1[%get3A, %get3A_0] : memref<12800x128xf32, #tpu.memory_space<vmem>>, vector<12800x128xf32>
    %reduce_sum3A = arith.constant dense<0.000000e+00> : vector<12800xf32>
    %reduce_sum3A_2 = vector.multi_reduction <add>, %get3A_1, %reduce_sum3A [1] : vector<12800x128xf32> to vector<12800xf32>
    %broadcast_in_dim3A = vector.shape_cast %reduce_sum3A_2 : vector<12800xf32> to vector<1x12800xf32>
    %swap3A = arith.constant 0 : index
    %swap3A_3 = arith.constant 0 : index
    %swap3A_4 = vector.load %arg4[%swap3A, %swap3A_3] : memref<1x12800xf32, #tpu.memory_space<vmem>>, vector<1x12800xf32>
    tpu.vector_store %arg4[%swap3A, %swap3A_3], %broadcast_in_dim3A {strides = array<i32>} : memref<1x12800xf32, #tpu.memory_space<vmem>>, vector<1x12800xf32>,
    %get3A_5 = arith.constant 0 : index
    %get3A_6 = arith.constant 0 : index
    %get3A_7 = vector.load %arg3[%get3A_5, %get3A_6] : memref<1x128xf32, #tpu.memory_space<vmem>>, vector<1x128xf32>
    %get3A_8 = arith.constant 0 : index
    %get3A_9 = arith.constant 0 : index
    %get3A_10 = vector.load %arg2[%get3A_8, %get3A_9] : memref<128x12800xf32, #tpu.memory_space<vmem>>, vector<128x12800xf32>
    %dot_general3A = arith.constant dense<0.000000e+00> : vector<1x12800xf32>
    %dot_general3A_11 = tpu.matmul %get3A_7, %get3A_10, %dot_general3A {dimension_numbers = #tpu.dot_dimension_numbers<[1], [0], [0], [1], [0, 0, 1, 1], [], []>, transpose_lhs_hint = false} : vector<1x128xf32>, vector<128x12800xf32>, vector<1x12800xf32> -> vector<1x12800xf32>
    %swap3A_12 = arith.constant 0 : index
    %swap3A_13 = arith.constant 0 : index
    %swap3A_14 = vector.load %arg5[%swap3A_12, %swap3A_13] : memref<1x12800xf32, #tpu.memory_space<vmem>>, vector<1x12800xf32>
    tpu.vector_store %arg5[%swap3A_12, %swap3A_13], %dot_general3A_11 {strides = array<i32>} : memref<1x12800xf32, #tpu.memory_space<vmem>>, vector<1x12800xf32>,
    return
  }
  func.func @transform_0(%arg0: i32) -> (i32, i32) {
    %c0_i32 = arith.constant 0 : i32
    %c0_i32_0 = arith.constant 0 : i32
    return %arg0, %c0_i32 : i32, i32
  }
  func.func @transform_1(%arg0: i32) -> (i32, i32) {
    %c0_i32 = arith.constant 0 : i32
    %c0_i32_0 = arith.constant 0 : i32
    return %c0_i32, %arg0 : i32, i32
  }
  func.func @transform_2(%arg0: i32) -> (i32, i32) {
    %c0_i32 = arith.constant 0 : i32
    %c0_i32_0 = arith.constant 0 : i32
    %c0_i32_1 = arith.constant 0 : i32
    return %c0_i32, %c0_i32_0 : i32, i32
  }
  func.func @transform_3(%arg0: i32) -> (i32, i32) {
    %c0_i32 = arith.constant 0 : i32
    %c0_i32_0 = arith.constant 0 : i32
    return %c0_i32, %arg0 : i32, i32
  }
  func.func @transform_4(%arg0: i32) -> (i32, i32) {
    %c0_i32 = arith.constant 0 : i32
    %c0_i32_0 = arith.constant 0 : i32
    return %c0_i32, %arg0 : i32, i32
  }
}

module attributes {stable_mosaic.version = 14 : i64} {
  func.func @_final_body(%arg0: memref<32x16xf32, #tpu.memory_space<vmem>>, %arg1: memref<1x2048xf32, #tpu.memory_space<vmem>>, %arg2: memref<1x2048xf32, #tpu.memory_space<vmem>>, %arg3: memref<1x128xf32, #tpu.memory_space<vmem>>, %arg4: memref<1x128xf32, #tpu.memory_space<vmem>>, %arg5: memref<1x1xf32, #tpu.memory_space<vmem>>, %arg6: memref<1x1xf32, #tpu.memory_space<vmem>>) attributes {dimension_semantics = [], scalar_prefetch = 0 : i64, scratch_operands = 0 : i64, tpu.core_type = #tpu.core_type<tc>} {
    %get3A = arith.constant 0 : index
    %get3A_0 = arith.constant 0 : index
    %get3A_1 = vector.load %arg0[%get3A, %get3A_0] : memref<32x16xf32, #tpu.memory_space<vmem>>, vector<32x16xf32>
    %reduce_sum3A = vector.shape_cast %get3A_1 : vector<32x16xf32> to vector<1x32x16xf32>
    %reduce_sum3A_2 = arith.constant dense<0.000000e+00> : vector<1xf32>
    %reduce_sum3A_3 = vector.multi_reduction <add>, %reduce_sum3A, %reduce_sum3A_2 [1, 2] : vector<1x32x16xf32> to vector<1xf32>
    %reduce_sum3A_4 = vector.shape_cast %reduce_sum3A_3 : vector<1xf32> to vector<1x1x1xf32>
    %reduce_sum3A_5 = vector.extract %reduce_sum3A_4[0, 0, 0] : f32 from vector<1x1x1xf32>
    %get3A_6 = arith.constant 0 : index
    %get3A_7 = arith.constant 0 : index
    %get3A_8 = vector.load %arg1[%get3A_6, %get3A_7] : memref<1x2048xf32, #tpu.memory_space<vmem>>, vector<1x2048xf32>
    %get3A_9 = arith.constant 0 : index
    %get3A_10 = arith.constant 0 : index
    %get3A_11 = vector.load %arg2[%get3A_9, %get3A_10] : memref<1x2048xf32, #tpu.memory_space<vmem>>, vector<1x2048xf32>
    %mul3A = arith.mulf %get3A_8, %get3A_11 : vector<1x2048xf32>
    %reduce_sum3A_12 = vector.shape_cast %mul3A : vector<1x2048xf32> to vector<1x1x2048xf32>
    %reduce_sum3A_13 = arith.constant dense<0.000000e+00> : vector<1xf32>
    %reduce_sum3A_14 = vector.multi_reduction <add>, %reduce_sum3A_12, %reduce_sum3A_13 [1, 2] : vector<1x1x2048xf32> to vector<1xf32>
    %reduce_sum3A_15 = vector.shape_cast %reduce_sum3A_14 : vector<1xf32> to vector<1x1x1xf32>
    %reduce_sum3A_16 = vector.extract %reduce_sum3A_15[0, 0, 0] : f32 from vector<1x1x1xf32>
    %get3A_17 = arith.constant 0 : index
    %get3A_18 = arith.constant 0 : index
    %get3A_19 = vector.load %arg3[%get3A_17, %get3A_18] : memref<1x128xf32, #tpu.memory_space<vmem>>, vector<1x128xf32>
    %get3A_20 = arith.constant 0 : index
    %get3A_21 = arith.constant 0 : index
    %get3A_22 = vector.load %arg4[%get3A_20, %get3A_21] : memref<1x128xf32, #tpu.memory_space<vmem>>, vector<1x128xf32>
    %mul3A_23 = arith.mulf %get3A_19, %get3A_22 : vector<1x128xf32>
    %reduce_sum3A_24 = vector.shape_cast %mul3A_23 : vector<1x128xf32> to vector<1x1x128xf32>
    %reduce_sum3A_25 = arith.constant dense<0.000000e+00> : vector<1xf32>
    %reduce_sum3A_26 = vector.multi_reduction <add>, %reduce_sum3A_24, %reduce_sum3A_25 [1, 2] : vector<1x1x128xf32> to vector<1xf32>
    %reduce_sum3A_27 = vector.shape_cast %reduce_sum3A_26 : vector<1xf32> to vector<1x1x1xf32>
    %reduce_sum3A_28 = vector.extract %reduce_sum3A_27[0, 0, 0] : f32 from vector<1x1x1xf32>
    %get3A_29 = arith.constant 0 : index
    %get3A_30 = arith.constant 0 : index
    %get3A_31 = vector.load %arg5[%get3A_29, %get3A_30] : memref<1x1xf32, #tpu.memory_space<vmem>>, vector<1x1xf32>
    %get3A_32 = vector.extract %get3A_31[0, 0] : f32 from vector<1x1xf32>
    %add3A = arith.addf %reduce_sum3A_28, %get3A_32 : f32
    %add3A_33 = arith.addf %reduce_sum3A_5, %reduce_sum3A_16 : f32
    %add3A_34 = arith.addf %add3A_33, %add3A : f32
    %neg3A = arith.constant 0.000000e+00 : f32
    %neg3A_35 = arith.subf %neg3A, %add3A_34 : f32
    %exp3A = math.exp %neg3A_35 : f32
    %add3A_36 = arith.constant 1.000000e+00 : f32
    %add3A_37 = arith.addf %add3A_36, %exp3A : f32
    %div3A = arith.constant 1.000000e+00 : f32
    %div3A_38 = arith.divf %div3A, %add3A_37 : f32
    %reshape3A = vector.broadcast %div3A_38 : f32 to vector<1x1xf32>
    %swap3A = arith.constant 0 : index
    %swap3A_39 = arith.constant 0 : index
    %swap3A_40 = vector.load %arg6[%swap3A, %swap3A_39] : memref<1x1xf32, #tpu.memory_space<vmem>>, vector<1x1xf32>
    tpu.vector_store %arg6[%swap3A, %swap3A_39], %reshape3A {strides = array<i32>} : memref<1x1xf32, #tpu.memory_space<vmem>>, vector<1x1xf32>,
    return
  }
}

</mosaic_0001>

<sc_bundles>
// kernel: kernel.5.cloned.1.call-start
scs
__scs_entry_jumppad:
0x0: {  	(pc) =	sbr.rel $0x88, $3  }
0x1: {  	(tag) =	ssettag $0x0;
	lr =	simm.s32 $0x1  }
0x2: {  	[smem:$0x3F9A] =	sst lr;
	_ =	strace $0xD0000000  }
0x3: {  	_ = 	snop  }
0x4: {  	_ = 	snop  }
0x5: {  	_ = 	snop  }
0x6: {  	_ = 	snop  }
0x7: {  	_ = 	snop  }
__scs_overlays_trampoline_lowered:
0x8: {  	[smem:$0x3FA9] =	sst s0  }
0x9: {  	[smem:$0x3FAA] =	sst s1  }
0xa: {  	[smem:$0x3FAB] =	sst s2  }
0xb: {  	[smem:$0x3FAC] =	sst s3  }
0xc: {  	[smem:$0x3FAD] =	sst s4  }
0xd: {  	[smem:$0x3FAE] =	sst s5  }
0xe: {  	[smem:$0x3FAF] =	sst s6  }
0xf: {  	[smem:$0x3FB0] =	sst s7  }
0x10: {  	[smem:$0x3FB1] =	sst s8  }
0x11: {  	[smem:$0x3FB2] =	sst s9;
	s0 =	simm.s32 @!p0 $0x0  }
0x12: {  	s1 =	sld [smem:$0x3F98];
	s0 =	simm.s32 @p0 $0x1  }
0x13: {  	[smem:$0x3FB3] =	sst s0;
	s0 =	simm.s32 @!p1 $0x0  }
0x14: {  	s2 =	sld [smem:$0x3F97];
	s0 =	simm.s32 @p1 $0x1  }
0x15: {  	[smem:$0x3FB4] =	sst s0;
	s0 =	simm.s32 @!p2 $0x0  }
0x16: {  	s3 =	sld [smem:$0x3FDB];
	s0 =	simm.s32 @p2 $0x1  }
0x17: {  	s4 =	simm.s32 $0x1BF5;
	[smem:$0x3FB6] =	sst s0  }
0x18: {  	s0 =	sld [smem:$0x3F99];
	_ =	swait.ge [sflag:s4], $0x0  }
0x19: {  	s7 =	sld [smem:$0x3F9A]  }
0x1a: {  	s8 =	sadd.s32 $0xFFFFE003, lr  }
0x1b: {  	s9 =	sadd.s32 $0xFFFFFEF7, lr;
	s5 =	simm.s32 $0xFFFFFFFF;
	p2 =	slt.u32 s8, $0xFFFFF086  }
0x1c: {  	p1 =	slt.u32 s9, $0xF7A;
	s5 =	simm.s32 @!p2 $0x0  }
0x1d: {  	s5 =	simm.s32 @p1 $0x1;
	p0 =	seq.s32 s7, s2  }
0x1e: {  	s7 =	smul.u32 @!p0 $0xF7A, s2;
	p2 =	seq.s32 @!p0 s5, $0x0  }
0x1f: {  	s9 =	smul.u32 $0xF7A, s1;
	s8 =	simm.s32 @!p0 $0x1BF5;
	p2 =	por !p2, p0  }
0x20: {  	[sflag:s8] =	ssyncset.s32 @!p0 $0xFFFFF086;
	s6 =	sadd.s32 @!p0 s3, s7;
	s7 =	simm.s32 @!p0 $0x108  }
0x21: {  	s3 =	sadd.s32 s3, s9;
	s6 =	sadd.s32 @!p0 $0x88, s6;
	s7 =	simm.s32 @p2 $0x1082  }
0x22: {  	[simem:s7], [sflag:s8] =	dma.local @!p0 [hbm:s6], $0xF7A  }
0x23: {  	s9 =	sor.u32 $0xD0000000, s2;
	s6 =	simm.s32 $0x108;
	_ =	swait.ge @!p0 [sflag:s8], $0x0  }
0x24: {  	s3 =	sadd.s32 $0x88, s3;
	s6 =	simm.s32 @!p1 $0x1082;
	[sflag:s4] =	ssyncset.s32 $0xFFFFF086  }
0x25: {  	[simem:s6], [sflag:s4] =	dma.local [hbm:s3], $0xF7A  }
0x26: {  	[smem:$0x3F9A] =	sst s1;
	(tag) =	ssettag s2;
	_ =	strace s9  }
0x27: {  	s1 =	sld [smem:$0x3FAA]  }
0x28: {  	s2 =	sld [smem:$0x3FAB]  }
0x29: {  	s4 =	sld [smem:$0x3FAD]  }
0x2a: {  	p0 =	seq.s32 s5, $0x0;
	s5 =	sld [smem:$0x3FAE]  }
0x2b: {  	s6 =	sld [smem:$0x3FAF]  }
0x2c: {  	s7 =	sld [smem:$0x3FB0]  }
0x2d: {  	s3 =	simm.s32 $0x108;
	s8 =	sld [smem:$0x3FB1]  }
0x2e: {  	s3 =	simm.s32 @!p0 $0x1082;
	s9 =	sld [smem:$0x3FB2]  }
0x2f: {  	lr =	sadd.s32 s0, s3;
	s0 =	sld [smem:$0x3FA9]  }
0x30: {  	s3 =	sld [smem:$0x3FAC]  }
0x31: {  	[smem:$0x3FB5] =	sst s10  }
0x32: {  	s10 =	sld [smem:$0x3FB3];
	_ =	sdelay $0x3  }
0x33: {  	p0 =	seq.s32 s10, $0x1;
	s10 =	sld [smem:$0x3FB5];
	_ =	sdelay $0x3  }
0x34: {  	[smem:$0x3FB5] =	sst s10  }
0x35: {  	s10 =	sld [smem:$0x3FB4];
	_ =	sdelay $0x3  }
0x36: {  	p1 =	seq.s32 s10, $0x1;
	s10 =	sld [smem:$0x3FB5];
	_ =	sdelay $0x3  }
0x37: {  	[smem:$0x3FB5] =	sst s10  }
0x38: {  	s10 =	sld [smem:$0x3FB6]  }
0x39: {  	_ = 	snop;
	(pc) =	sbr.ind lr, $3  }
0x3a: {  	_ = 	snop  }
0x3b: {  	_ = 	snop  }
0x3c: {  	p2 =	seq.s32 s10, $0x1;
	s10 =	sld [smem:$0x3FB5]  }
0x3d: {  	_ =	shalt  }
0x3e: {  	_ =	shalt  }
0x3f: {  	_ =	shalt  }
0x40: {  	_ =	shalt  }
0x41: {  	_ =	shalt  }
0x42: {  	_ =	shalt  }
0x43: {  	_ =	shalt  }
0x44: {  	_ =	shalt  }
0x45: {  	_ =	shalt  }
0x46: {  	_ =	shalt  }
0x47: {  	_ =	shalt  }
0x48: {  	_ =	shalt  }
0x49: {  	_ =	shalt  }
0x4a: {  	_ =	shalt  }
0x4b: {  	_ =	shalt  }
0x4c: {  	_ =	shalt  }
0x4d: {  	_ =	shalt  }
0x4e: {  	_ =	shalt  }
0x4f: {  	_ =	shalt  }
0x50: {  	_ =	shalt  }
0x51: {  	_ =	shalt  }
0x52: {  	_ =	shalt  }
0x53: {  	_ =	shalt  }
0x54: {  	_ =	shalt  }
0x55: {  	_ =	shalt  }
0x56: {  	_ =	shalt  }
0x57: {  	_ =	shalt  }
0x58: {  	_ =	shalt  }
0x59: {  	_ =	shalt  }
0x5a: {  	_ =	shalt  }
0x5b: {  	_ =	shalt  }
0x5c: {  	_ =	shalt  }
0x5d: {  	_ =	shalt  }
0x5e: {  	_ =	shalt  }
0x5f: {  	_ =	shalt  }
0x60: {  	_ =	shalt  }
0x61: {  	_ =	shalt  }
0x62: {  	_ =	shalt  }
0x63: {  	_ =	shalt  }
0x64: {  	_ =	shalt  }
0x65: {  	_ =	shalt  }
0x66: {  	_ =	shalt  }
0x67: {  	_ =	shalt  }
0x68: {  	_ =	shalt  }
0x69: {  	_ =	shalt  }
0x6a: {  	_ =	shalt  }
0x6b: {  	_ =	shalt  }
0x6c: {  	_ =	shalt  }
0x6d: {  	_ =	shalt  }
0x6e: {  	_ =	shalt  }
0x6f: {  	_ =	shalt  }
0x70: {  	_ =	shalt  }
0x71: {  	_ =	shalt  }
0x72: {  	_ =	shalt  }
0x73: {  	_ =	shalt  }
0x74: {  	_ =	shalt  }
0x75: {  	_ =	shalt  }
0x76: {  	_ =	shalt  }
0x77: {  	_ =	shalt  }
0x78: {  	_ =	shalt  }
0x79: {  	_ =	shalt  }
0x7a: {  	_ =	shalt  }
0x7b: {  	_ =	shalt  }
0x7c: {  	_ =	shalt  }
0x7d: {  	_ =	shalt  }
0x7e: {  	_ =	shalt  }
0x7f: {  	_ =	shalt  }
0x80: {  	_ =	shalt  }
0x81: {  	_ =	shalt  }
0x82: {  	_ =	shalt  }
0x83: {  	_ =	shalt  }
0x84: {  	_ =	shalt  }
0x85: {  	_ =	shalt  }
0x86: {  	_ =	shalt  }
0x87: {  	_ =	shalt  }
.Lfunc_end0:
.L_simem_size_0:
called_computation_lowered:
.L_overlay_start_0:
0x88: {  	s2 =	sld [smem:$0x3FD9]  }
0x89: {  	s3 =	sld [smem:$0x3FFE];
	_ =	sdelay $0x1  }
0x8a: {  	s1 =	srdreg.scid  }
0x8b: {  	s0 =	sand.u32 $0x1, s1  }
0x8c: {  	s16 =	sshll.u32 s0, $0xA;
	s2 =	sadd.s32 s3, s2  }
0x8d: {  	s2 =	sadd.s32 s2, s16  }
0x8e: {  	[smem:$0x3FC1] =	sst s2  }
0x8f: {  	_ = 	snop  }
0x90: {  	(tm) =	ssettm $0x1  }
0x91: {  	s17 =	sld [smem:$0x3FFB];
	_ =	sdelay $0x3  }
0x92: {  	_ =	strace s17  }
0x93: {  	s2 =	sld [smem:$0x3FFC];
	_ =	sdelay $0x3  }
0x94: {  	_ =	strace s2  }
0x95: {  	s2 =	sld [smem:$0x3FFD];
	_ =	sdelay $0x3  }
0x96: {  	_ =	strace s2  }
0x97: {  	_ =	strace $0x8FFFFFFF  }
0x98: {  	s18 =	sld [smem:$0x3FDB];
	_ =	sdelay $0x1  }
0x99: {  	s19 =	simm.s32 $_scs_section_size  }
0x9a: {  	s4 =	simm.s32 $_size__tile_overlayer_lowered;
	s5 =	simm.s32 $_tile_overlayer_lowered  }
0x9b: {  	s22 =	simm.s32 $0x1BFF;
	s21 =	sshll.u32 s5, $0x1;
	s2 =	sadd.s32 s19, s18  }
0x9c: {  	s6 =	simm.s32 $0x0;
	s20 =	sshll.u32 s4, $0x1;
	s4 =	sadd.s32 s21, s2  }
0x9d: {  	[timem:s6], [sflag:s22] =	dma.local [hbm:s4], s20  }
0x9e: {  	_ =	swait.ge [sflag:s22], s20  }
0x9f: {  	s3 =	ssub.s32 $0x0, s20;
	[sflag:s22] =	ssyncset.done $0x0  }
0xa0: {  	[sflag:s22] =	ssyncadd.s32 s3;
	_ =	sdelay $0x1  }
0xa1: {  	s23 =	simm.s32 $0x1B8B  }
0xa2: {  	_ =	swait.ge [sflag:s23], $0x1  }
0xa3: {  	[sflag:s23] =	ssyncset.done $0x0  }
0xa4: {  	s25 =	simm.s32 $0x1B8E;
	s24 =	sld [smem:$0x3FFE];
	[sflag:s23] =	ssyncadd.s32 $0xFFFFFFFF  }
0xa5: {  	s26 =	simm.s32 $execute0_lowered;
	[smem:$0x3FD2] =	sst s25  }
0xa6: {  	s4 =	sshll.u32 s26, $0x1;
	_ =	strace $0x80000046;
	[dreg:$0x1] =	wrdreg $0xFFFFFFFF  }
0xa7: {  	s28 =	simm.s32 $_size_execute0_lowered;
	s2 =	sadd.s32 s2, s4;
	[dreg:$0x0] =	wrdreg $0x0  }
0xa8: {  	s4 =	sshll.u32 s28, $0x1;
	[dreg:$0x2] =	wrdreg s2  }
0xa9: {  	[dreg:$0x3] =	wrdreg s4  }
0xaa: {  	[dreg:$0x4] =	wrdreg $0xC0  }
0xab: {  	_ =	task [dreg:s6], $0x5FFFF  }
0xac: {  	[dreg:$0x1] =	wrdreg $0xFFFFFFFF  }
0xad: {  	[dreg:$0x0] =	wrdreg $0x60  }
0xae: {  	[dreg:$0x2] =	wrdreg s24  }
0xaf: {  	[dreg:$0x3] =	wrdreg $0x9  }
0xb0: {  	_ =	task.clear_ibuf [dreg:s6], $0x4FFFF;
	_ =	strace $0x90000046  }
0xb1: {  	s29 =	simm.s32 $0x9;
	_ =	strace $0x80000048  }
0xb2: {  	_ =	swait.ge [sflag:s29], $0x1  }
0xb3: {  	[sflag:s29] =	ssyncadd.s32 $0xFFFFFFFF  }
0xb4: {  	_ =	strace $0x90000048  }
0xb5: {  	_ =	sfence  }
0xb6: {  	s30 =	sld [smem:$0x0];
	_ =	sdelay $0x2  }
0xb7: {  	s31 =	sshll.u32 s1, $0xD;
	s1 =	sshrl.u32 s1, $0x2  }
0xb8: {  	s3 =	sand.u32 $0x4000, s31;
	s1 =	sadd.s32 s1, s30  }
0xb9: {  	s0 =	sor.u32 s3, s0;
	s1 =	sshll.u32 s1, $0x11  }
0xba: {  	s0 =	sor.u32 s1, s0  }
0xbb: {  	s0 =	sadd.s32 $0x8F2B, s0  }
0xbc: {  	[sflag:s0] =	ssyncadd.remote.s32 $0x1  }
0xbd: {  	_ =	sfence.sel $0xFFFF  }
0xbe: {  	[dreg:$0x0] =	wrdreg $0xFFFFFFFF;
	(pc) =	sbr.abs _section_cstart, $3  }
0xbf: {  	[dreg:$0x1] =	wrdreg $0xFFFFFFFF  }
0xc0: {  	_ =	task.clear_ibuf [dreg:s6], $0x2FFFF;
	_ =	strace $0x9FFFFFFF  }
0xc1: {  	(tm) =	ssettm $0x7FFFFFFF  }
tec
execute0_lowered:
.L_overlay_start_1:
0x0: {  	(tag) =	ssettag $0x1  }
0x1: {  	s0 =	srdreg.scid;
	s6 =	stileid.u32  }
0x2: {  	s1 =	rddreg [dreg:$0x0];
	s9 =	simm.s32 $0x0;
	s8 =	simm.s32 $0x1  }
0x3: {  	s0 =	sand.u32 $0x1, s0;
	s2 =	sshll.u32 s6, $0x1;
	[smem:$0x7FF] =	sst s9  }
0x4: {  	s6 =	smul.u32 $0x1900, s6;
	s2 =	sor.u32 s0, s2;
	_ =	strace $0x80000047  }
0x5: {  	s5 =	ssub.s32 $0x2, s0;
	s0 =	smul.u32 $0xC80, s0;
	s3 =	sshll.u32 s2, $0x9  }
0x6: {  	s2 =	sshll.u32 s2, $0x4;
	s7 =	sshrl.u32 s5, $0x1;
	s4 =	sadd.s32 s3, s1  }
0x7: {  	s3 =	sadd.s32 $0xE00, s1;
	s1 =	sadd.s32 s2, s1;
	s5 =	ssub.s32 s5, s7  }
0x8: {  	s2 =	sadd.s32 s0, s6;
	s6 =	simm.s32 $0x0;
	s23 =	sadd.s32 $0x8000, s4  }
0x9: {  	s24 =	sadd.s32 $0x4000, s4;
	s1 =	sadd.s32 $0xC000, s1;
	s25 =	smax.u32 s5, $0x1  }
0xa: {  	s26 =	sadd.s32 $0x80, s2;
	s10 =	sadd.s32 $0x100, s2;
	s11 =	sadd.s32 $0x180, s2  }
0xb: {  	s12 =	sadd.s32 $0x200, s2;
	s13 =	sadd.s32 $0x280, s2;
	s14 =	sadd.s32 $0x300, s2  }
0xc: {  	s15 =	sadd.s32 $0x380, s2;
	s16 =	sadd.s32 $0x400, s2;
	s17 =	sadd.s32 $0x480, s2  }
0xd: {  	s18 =	sadd.s32 $0x500, s2;
	s19 =	sadd.s32 $0x580, s2;
	s20 =	sadd.s32 $0x600, s2  }
0xe: {  	s21 =	sadd.s32 $0x680, s2;
	s22 =	sadd.s32 $0x700, s2;
	[dreg:$0x2] =	wrdreg s23  }
0xf: {  	s28 =	sadd.s32 $0x980, s2;
	s29 =	sadd.s32 $0xA00, s2;
	[dreg:$0x3] =	wrdreg s24  }
0x10: {  	s30 =	sadd.s32 $0xA80, s2;
	s31 =	sadd.s32 $0xB00, s2;
	[dreg:$0x4] =	wrdreg s1  }
0x11: {  	s0 =	sadd.s32 $0xC00, s2;
	s5 =	simm.s32 $0x80;
	[dreg:$0x5] =	wrdreg s25  }
0x12: {  	[dreg:$0x6] =	wrdreg s26;
	s23 =	sadd.s32 $0x780, s2;
	s24 =	sadd.s32 $0x800, s2  }
0x13: {  	s25 =	sadd.s32 $0x880, s2;
	s26 =	sadd.s32 $0x900, s2;
	s1 =	sadd.s32 $0xB80, s2  }
.LBB2_1:
0x14: {  	s4 =	rddreg [dreg:$0x2]  }
0x15: {  	[tilespmem:s9], [sflag:$0x2] =	stream.linear.gather [hbm4b:s4+s9], $0xC80, $0x38;
	[tilespmem:$0x3080] =	vst v63  }
0x16: {  	s7 =	simm.s32 $0x1000;
	s4 =	rddreg [dreg:$0x3]  }
0x17: {  	[tilespmem:s7], [sflag:$0x3] =	stream.linear.gather [hbm4b:s4+s9], $0xC80, $0x38;
	[tilespmem:$0x3080] =	vst v63  }
0x18: {  	s7 =	simm.s32 $0x2  }
0x19: {  	_ =	swait.ge [sflag:s7], $0xC80  }
0x1a: {  	[sflag:s7] =	ssyncset.done $0x0  }
0x1b: {  	[sflag:s7] =	ssyncadd.s32 $0xFFFFF380;
	s7 =	simm.s32 $0x2000  }
0x1c: {  	[tilespmem:s7], [sflag:$0x1] =	stream.indirect.gather [hbm4b:s3+s5], $0x1, s9, s5, $0xb8;
	[tilespmem:$0x3080] =	vst v63  }
0x1d: {  	s9 =	simm.s32 $0x2080  }
0x1e: {  	[tilespmem:s9], [sflag:$0x1] =	stream.indirect.gather [hbm4b:s3+s5], $0x1, s5, s5, $0xb8;
	[tilespmem:$0x3080] =	vst v63  }
0x1f: {  	s7 =	simm.s32 $0x100;
	s9 =	simm.s32 $0x2100  }
0x20: {  	[tilespmem:s9], [sflag:$0x1] =	stream.indirect.gather [hbm4b:s3+s5], $0x1, s7, s5, $0xb8;
	[tilespmem:$0x3080] =	vst v63  }
0x21: {  	s7 =	simm.s32 $0x180;
	s9 =	simm.s32 $0x2180  }
0x22: {  	[tilespmem:s9], [sflag:$0x1] =	stream.indirect.gather [hbm4b:s3+s5], $0x1, s7, s5, $0xb8;
	[tilespmem:$0x3080] =	vst v63  }
0x23: {  	s7 =	simm.s32 $0x200;
	s9 =	simm.s32 $0x2200  }
0x24: {  	[tilespmem:s9], [sflag:$0x1] =	stream.indirect.gather [hbm4b:s3+s5], $0x1, s7, s5, $0xb8;
	[tilespmem:$0x3080] =	vst v63  }
0x25: {  	s7 =	simm.s32 $0x280;
	s9 =	simm.s32 $0x2280  }
0x26: {  	[tilespmem:s9], [sflag:$0x1] =	stream.indirect.gather [hbm4b:s3+s5], $0x1, s7, s5, $0xb8;
	[tilespmem:$0x3080] =	vst v63  }
0x27: {  	s7 =	simm.s32 $0x300;
	s9 =	simm.s32 $0x2300  }
0x28: {  	[tilespmem:s9], [sflag:$0x1] =	stream.indirect.gather [hbm4b:s3+s5], $0x1, s7, s5, $0xb8;
	[tilespmem:$0x3080] =	vst v63  }
0x29: {  	s7 =	simm.s32 $0x380;
	s9 =	simm.s32 $0x2380  }
0x2a: {  	[tilespmem:s9], [sflag:$0x1] =	stream.indirect.gather [hbm4b:s3+s5], $0x1, s7, s5, $0xb8;
	[tilespmem:$0x3080] =	vst v63  }
0x2b: {  	s7 =	simm.s32 $0x400;
	s9 =	simm.s32 $0x2400  }
0x2c: {  	[tilespmem:s9], [sflag:$0x1] =	stream.indirect.gather [hbm4b:s3+s5], $0x1, s7, s5, $0xb8;
	[tilespmem:$0x3080] =	vst v63  }
0x2d: {  	s7 =	simm.s32 $0x480;
	s9 =	simm.s32 $0x2480  }
0x2e: {  	[tilespmem:s9], [sflag:$0x1] =	stream.indirect.gather [hbm4b:s3+s5], $0x1, s7, s5, $0xb8;
	[tilespmem:$0x3080] =	vst v63  }
0x2f: {  	s7 =	simm.s32 $0x500;
	s9 =	simm.s32 $0x2500  }
0x30: {  	[tilespmem:s9], [sflag:$0x1] =	stream.indirect.gather [hbm4b:s3+s5], $0x1, s7, s5, $0xb8;
	[tilespmem:$0x3080] =	vst v63  }
0x31: {  	s7 =	simm.s32 $0x580;
	s9 =	simm.s32 $0x2580  }
0x32: {  	[tilespmem:s9], [sflag:$0x1] =	stream.indirect.gather [hbm4b:s3+s5], $0x1, s7, s5, $0xb8;
	[tilespmem:$0x3080] =	vst v63  }
0x33: {  	s7 =	simm.s32 $0x600;
	s9 =	simm.s32 $0x2600  }
0x34: {  	[tilespmem:s9], [sflag:$0x1] =	stream.indirect.gather [hbm4b:s3+s5], $0x1, s7, s5, $0xb8;
	[tilespmem:$0x3080] =	vst v63  }
0x35: {  	s7 =	simm.s32 $0x680;
	s9 =	simm.s32 $0x2680  }
0x36: {  	[tilespmem:s9], [sflag:$0x1] =	stream.indirect.gather [hbm4b:s3+s5], $0x1, s7, s5, $0xb8;
	[tilespmem:$0x3080] =	vst v63  }
0x37: {  	s7 =	simm.s32 $0x700;
	s9 =	simm.s32 $0x2700  }
0x38: {  	[tilespmem:s9], [sflag:$0x1] =	stream.indirect.gather [hbm4b:s3+s5], $0x1, s7, s5, $0xb8;
	[tilespmem:$0x3080] =	vst v63  }
0x39: {  	s7 =	simm.s32 $0x780;
	s9 =	simm.s32 $0x2780  }
0x3a: {  	[tilespmem:s9], [sflag:$0x1] =	stream.indirect.gather [hbm4b:s3+s5], $0x1, s7, s5, $0xb8;
	[tilespmem:$0x3080] =	vst v63  }
0x3b: {  	s7 =	simm.s32 $0x800;
	s9 =	simm.s32 $0x2800  }
0x3c: {  	[tilespmem:s9], [sflag:$0x1] =	stream.indirect.gather [hbm4b:s3+s5], $0x1, s7, s5, $0xb8;
	[tilespmem:$0x3080] =	vst v63  }
0x3d: {  	s7 =	simm.s32 $0x880;
	s9 =	simm.s32 $0x2880  }
0x3e: {  	[tilespmem:s9], [sflag:$0x1] =	stream.indirect.gather [hbm4b:s3+s5], $0x1, s7, s5, $0xb8;
	[tilespmem:$0x3080] =	vst v63  }
0x3f: {  	s7 =	simm.s32 $0x900;
	s9 =	simm.s32 $0x2900  }
0x40: {  	[tilespmem:s9], [sflag:$0x1] =	stream.indirect.gather [hbm4b:s3+s5], $0x1, s7, s5, $0xb8;
	[tilespmem:$0x3080] =	vst v63  }
0x41: {  	s7 =	simm.s32 $0x980;
	s9 =	simm.s32 $0x2980  }
0x42: {  	[tilespmem:s9], [sflag:$0x1] =	stream.indirect.gather [hbm4b:s3+s5], $0x1, s7, s5, $0xb8;
	[tilespmem:$0x3080] =	vst v63  }
0x43: {  	s7 =	simm.s32 $0xA00;
	s9 =	simm.s32 $0x2A00  }
0x44: {  	[tilespmem:s9], [sflag:$0x1] =	stream.indirect.gather [hbm4b:s3+s5], $0x1, s7, s5, $0xb8;
	[tilespmem:$0x3080] =	vst v63  }
0x45: {  	s7 =	simm.s32 $0xA80;
	s9 =	simm.s32 $0x2A80  }
0x46: {  	[tilespmem:s9], [sflag:$0x1] =	stream.indirect.gather [hbm4b:s3+s5], $0x1, s7, s5, $0xb8;
	[tilespmem:$0x3080] =	vst v63  }
0x47: {  	s7 =	simm.s32 $0xB00;
	s9 =	simm.s32 $0x2B00  }
0x48: {  	[tilespmem:s9], [sflag:$0x1] =	stream.indirect.gather [hbm4b:s3+s5], $0x1, s7, s5, $0xb8;
	[tilespmem:$0x3080] =	vst v63  }
0x49: {  	s7 =	simm.s32 $0xB80;
	s9 =	simm.s32 $0x2B80  }
0x4a: {  	[tilespmem:s9], [sflag:$0x1] =	stream.indirect.gather [hbm4b:s3+s5], $0x1, s7, s5, $0xb8;
	[tilespmem:$0x3080] =	vst v63  }
0x4b: {  	s7 =	simm.s32 $0xC00;
	s9 =	simm.s32 $0x2C00  }
0x4c: {  	[tilespmem:s9], [sflag:$0x1] =	stream.indirect.gather [hbm4b:s3+s5], $0x1, s7, s5, $0xb8;
	[tilespmem:$0x3080] =	vst v63  }
0x4d: {  	s7 =	simm.s32 $0x3  }
0x4e: {  	_ =	swait.ge [sflag:s7], $0xC80  }
0x4f: {  	[sflag:s7] =	ssyncset.done $0x0  }
0x50: {  	[sflag:s7] =	ssyncadd.s32 $0xFFFFF380  }
0x51: {  	_ =	swait.ge [sflag:s8], $0x80  }
0x52: {  	[sflag:s8] =	ssyncset.done $0x0  }
0x53: {  	s9 =	simm.s32 $0x0;
	[sflag:s8] =	ssyncadd.s32 $0xFFFFFF80  }
0x54: {  	v1 =	vld [tilespmem:s9+$0x1000]  }
0x55: {  	v2 =	vld [tilespmem:s9+$0x2000];
	_ =	sdelay $0x2  }
0x56: {  	v0 =	vimm.f32 $0.0e+00;
	p0 =	slt.u32 s2, $0x186A0;
	s4 =	simm.s32 $0x40;
	s7 =	smov.u32 s2  }
.LBB2_2:
0x57: {  	s9 =	sshra.s32 s4, $0x2;
	p1 =	sne.s32 s4, $0x1C0;
	s4 =	sadd.s32 $0x40, s4;
	v3 =	vpsel !p0, $0x0, v1  }
.Ltmp0:
0x58: {  	v1 =	vld [tilespmem:s9+$0x1000];
	v3 =	vmul.f32 v3, v2;
	(pc) =	sbr.rel @p1 .LBB2_2-.Ltmp0, $4  }
0x59: {  	v2 =	vld [tilespmem:s9+$0x2000]  }
0x5a: {  	v0 =	vadd.f32 v3, v0  }
0x5b: {  	s7 =	sadd.s32 $0x10, s7  }
0x5c: {  	p0 =	slt.u32 s7, $0x186A0  }
0x5d: {  	_ =	swait.ge [sflag:s8], $0x80  }
0x5e: {  	v1 =	vpsel !p0, $0x0, v1;
	[sflag:s8] =	ssyncset.done $0x0  }
0x5f: {  	s7 =	simm.s32 $0x0;
	v2 =	vmul.f32 v1, v2;
	[sflag:s8] =	ssyncadd.s32 $0xFFFFFF80  }
0x60: {  	v1 =	vld [tilespmem:s7+$0x1080]  }
0x61: {  	v0 =	vadd.f32 v2, v0;
	v2 =	vld [tilespmem:s7+$0x2080];
	_ =	sdelay $0x1  }
0x62: {  	s7 =	rddreg [dreg:$0x6]  }
0x63: {  	s4 =	simm.s32 $0x40;
	p0 =	slt.u32 s7, $0x186A0  }
.LBB2_4:
0x64: {  	s9 =	sshra.s32 s4, $0x2;
	p1 =	sne.s32 s4, $0x1C0;
	s4 =	sadd.s32 $0x40, s4;
	v3 =	vpsel !p0, $0x0, v1  }
.Ltmp1:
0x65: {  	v1 =	vld [tilespmem:s9+$0x1080];
	v3 =	vmul.f32 v3, v2;
	(pc) =	sbr.rel @p1 .LBB2_4-.Ltmp1, $4  }
0x66: {  	v2 =	vld [tilespmem:s9+$0x2080]  }
0x67: {  	v0 =	vadd.f32 v3, v0  }
0x68: {  	s7 =	sadd.s32 $0x10, s7  }
0x69: {  	p0 =	slt.u32 s7, $0x186A0  }
0x6a: {  	_ =	swait.ge [sflag:s8], $0x80  }
0x6b: {  	v1 =	vpsel !p0, $0x0, v1;
	[sflag:s8] =	ssyncset.done $0x0  }
0x6c: {  	s7 =	simm.s32 $0x0;
	v2 =	vmul.f32 v1, v2;
	[sflag:s8] =	ssyncadd.s32 $0xFFFFFF80  }
0x6d: {  	v1 =	vld [tilespmem:s7+$0x1100]  }
0x6e: {  	v0 =	vadd.f32 v2, v0;
	v2 =	vld [tilespmem:s7+$0x2100];
	_ =	sdelay $0x2  }
0x6f: {  	s4 =	simm.s32 $0x40;
	p0 =	slt.u32 s10, $0x186A0;
	s7 =	smov.u32 s10  }
.LBB2_6:
0x70: {  	s9 =	sshra.s32 s4, $0x2;
	p1 =	sne.s32 s4, $0x1C0;
	s4 =	sadd.s32 $0x40, s4;
	v3 =	vpsel !p0, $0x0, v1  }
.Ltmp2:
0x71: {  	v1 =	vld [tilespmem:s9+$0x1100];
	v3 =	vmul.f32 v3, v2;
	(pc) =	sbr.rel @p1 .LBB2_6-.Ltmp2, $4  }
0x72: {  	v2 =	vld [tilespmem:s9+$0x2100]  }
0x73: {  	v0 =	vadd.f32 v3, v0  }
0x74: {  	s7 =	sadd.s32 $0x10, s7  }
0x75: {  	p0 =	slt.u32 s7, $0x186A0  }
0x76: {  	_ =	swait.ge [sflag:s8], $0x80  }
0x77: {  	v1 =	vpsel !p0, $0x0, v1;
	[sflag:s8] =	ssyncset.done $0x0  }
0x78: {  	s7 =	simm.s32 $0x0;
	v2 =	vmul.f32 v1, v2;
	[sflag:s8] =	ssyncadd.s32 $0xFFFFFF80  }
0x79: {  	v1 =	vld [tilespmem:s7+$0x1180]  }
0x7a: {  	v0 =	vadd.f32 v2, v0;
	v2 =	vld [tilespmem:s7+$0x2180];
	_ =	sdelay $0x2  }
0x7b: {  	s4 =	simm.s32 $0x40;
	p0 =	slt.u32 s11, $0x186A0;
	s7 =	smov.u32 s11  }
.LBB2_8:
0x7c: {  	s9 =	sshra.s32 s4, $0x2;
	p1 =	sne.s32 s4, $0x1C0;
	s4 =	sadd.s32 $0x40, s4;
	v3 =	vpsel !p0, $0x0, v1  }
.Ltmp3:
0x7d: {  	v1 =	vld [tilespmem:s9+$0x1180];
	v3 =	vmul.f32 v3, v2;
	(pc) =	sbr.rel @p1 .LBB2_8-.Ltmp3, $4  }
0x7e: {  	v2 =	vld [tilespmem:s9+$0x2180]  }
0x7f: {  	v0 =	vadd.f32 v3, v0  }
0x80: {  	s7 =	sadd.s32 $0x10, s7  }
0x81: {  	p0 =	slt.u32 s7, $0x186A0  }
0x82: {  	_ =	swait.ge [sflag:s8], $0x80  }
0x83: {  	v1 =	vpsel !p0, $0x0, v1;
	[sflag:s8] =	ssyncset.done $0x0  }
0x84: {  	s7 =	simm.s32 $0x0;
	v2 =	vmul.f32 v1, v2;
	[sflag:s8] =	ssyncadd.s32 $0xFFFFFF80  }
0x85: {  	v1 =	vld [tilespmem:s7+$0x1200]  }
0x86: {  	v0 =	vadd.f32 v2, v0;
	v2 =	vld [tilespmem:s7+$0x2200];
	_ =	sdelay $0x2  }
0x87: {  	s4 =	simm.s32 $0x40;
	p0 =	slt.u32 s12, $0x186A0;
	s7 =	smov.u32 s12  }
.LBB2_10:
0x88: {  	s9 =	sshra.s32 s4, $0x2;
	p1 =	sne.s32 s4, $0x1C0;
	s4 =	sadd.s32 $0x40, s4;
	v3 =	vpsel !p0, $0x0, v1  }
.Ltmp4:
0x89: {  	v1 =	vld [tilespmem:s9+$0x1200];
	v3 =	vmul.f32 v3, v2;
	(pc) =	sbr.rel @p1 .LBB2_10-.Ltmp4, $4  }
0x8a: {  	v2 =	vld [tilespmem:s9+$0x2200]  }
0x8b: {  	v0 =	vadd.f32 v3, v0  }
0x8c: {  	s7 =	sadd.s32 $0x10, s7  }
0x8d: {  	p0 =	slt.u32 s7, $0x186A0  }
0x8e: {  	_ =	swait.ge [sflag:s8], $0x80  }
0x8f: {  	v1 =	vpsel !p0, $0x0, v1;
	[sflag:s8] =	ssyncset.done $0x0  }
0x90: {  	s7 =	simm.s32 $0x0;
	v2 =	vmul.f32 v1, v2;
	[sflag:s8] =	ssyncadd.s32 $0xFFFFFF80  }
0x91: {  	v1 =	vld [tilespmem:s7+$0x1280]  }
0x92: {  	v0 =	vadd.f32 v2, v0;
	v2 =	vld [tilespmem:s7+$0x2280];
	_ =	sdelay $0x2  }
0x93: {  	s4 =	simm.s32 $0x40;
	p0 =	slt.u32 s13, $0x186A0;
	s7 =	smov.u32 s13  }
.LBB2_12:
0x94: {  	s9 =	sshra.s32 s4, $0x2;
	p1 =	sne.s32 s4, $0x1C0;
	s4 =	sadd.s32 $0x40, s4;
	v3 =	vpsel !p0, $0x0, v1  }
.Ltmp5:
0x95: {  	v1 =	vld [tilespmem:s9+$0x1280];
	v3 =	vmul.f32 v3, v2;
	(pc) =	sbr.rel @p1 .LBB2_12-.Ltmp5, $4  }
0x96: {  	v2 =	vld [tilespmem:s9+$0x2280]  }
0x97: {  	v0 =	vadd.f32 v3, v0  }
0x98: {  	s7 =	sadd.s32 $0x10, s7  }
0x99: {  	p0 =	slt.u32 s7, $0x186A0  }
0x9a: {  	_ =	swait.ge [sflag:s8], $0x80  }
0x9b: {  	v1 =	vpsel !p0, $0x0, v1;
	[sflag:s8] =	ssyncset.done $0x0  }
0x9c: {  	s7 =	simm.s32 $0x0;
	v2 =	vmul.f32 v1, v2;
	[sflag:s8] =	ssyncadd.s32 $0xFFFFFF80  }
0x9d: {  	v1 =	vld [tilespmem:s7+$0x1300]  }
0x9e: {  	v0 =	vadd.f32 v2, v0;
	v2 =	vld [tilespmem:s7+$0x2300];
	_ =	sdelay $0x2  }
0x9f: {  	s4 =	simm.s32 $0x40;
	p0 =	slt.u32 s14, $0x186A0;
	s7 =	smov.u32 s14  }
.LBB2_14:
0xa0: {  	s9 =	sshra.s32 s4, $0x2;
	p1 =	sne.s32 s4, $0x1C0;
	s4 =	sadd.s32 $0x40, s4;
	v3 =	vpsel !p0, $0x0, v1  }
.Ltmp6:
0xa1: {  	v1 =	vld [tilespmem:s9+$0x1300];
	v3 =	vmul.f32 v3, v2;
	(pc) =	sbr.rel @p1 .LBB2_14-.Ltmp6, $4  }
0xa2: {  	v2 =	vld [tilespmem:s9+$0x2300]  }
0xa3: {  	v0 =	vadd.f32 v3, v0  }
0xa4: {  	s7 =	sadd.s32 $0x10, s7  }
0xa5: {  	p0 =	slt.u32 s7, $0x186A0  }
0xa6: {  	_ =	swait.ge [sflag:s8], $0x80  }
0xa7: {  	v1 =	vpsel !p0, $0x0, v1;
	[sflag:s8] =	ssyncset.done $0x0  }
0xa8: {  	s7 =	simm.s32 $0x0;
	v2 =	vmul.f32 v1, v2;
	[sflag:s8] =	ssyncadd.s32 $0xFFFFFF80  }
0xa9: {  	v1 =	vld [tilespmem:s7+$0x1380]  }
0xaa: {  	v0 =	vadd.f32 v2, v0;
	v2 =	vld [tilespmem:s7+$0x2380];
	_ =	sdelay $0x2  }
0xab: {  	s4 =	simm.s32 $0x40;
	p0 =	slt.u32 s15, $0x186A0;
	s7 =	smov.u32 s15  }
.LBB2_16:
0xac: {  	s9 =	sshra.s32 s4, $0x2;
	p1 =	sne.s32 s4, $0x1C0;
	s4 =	sadd.s32 $0x40, s4;
	v3 =	vpsel !p0, $0x0, v1  }
.Ltmp7:
0xad: {  	v1 =	vld [tilespmem:s9+$0x1380];
	v3 =	vmul.f32 v3, v2;
	(pc) =	sbr.rel @p1 .LBB2_16-.Ltmp7, $4  }
0xae: {  	v2 =	vld [tilespmem:s9+$0x2380]  }
0xaf: {  	v0 =	vadd.f32 v3, v0  }
0xb0: {  	s7 =	sadd.s32 $0x10, s7  }
0xb1: {  	p0 =	slt.u32 s7, $0x186A0  }
0xb2: {  	_ =	swait.ge [sflag:s8], $0x80  }
0xb3: {  	v1 =	vpsel !p0, $0x0, v1;
	[sflag:s8] =	ssyncset.done $0x0  }
0xb4: {  	s7 =	simm.s32 $0x0;
	v2 =	vmul.f32 v1, v2;
	[sflag:s8] =	ssyncadd.s32 $0xFFFFFF80  }
0xb5: {  	v1 =	vld [tilespmem:s7+$0x1400]  }
0xb6: {  	v0 =	vadd.f32 v2, v0;
	v2 =	vld [tilespmem:s7+$0x2400];
	_ =	sdelay $0x2  }
0xb7: {  	s4 =	simm.s32 $0x40;
	p0 =	slt.u32 s16, $0x186A0;
	s7 =	smov.u32 s16  }
.LBB2_18:
0xb8: {  	s9 =	sshra.s32 s4, $0x2;
	p1 =	sne.s32 s4, $0x1C0;
	s4 =	sadd.s32 $0x40, s4;
	v3 =	vpsel !p0, $0x0, v1  }
.Ltmp8:
0xb9: {  	v1 =	vld [tilespmem:s9+$0x1400];
	v3 =	vmul.f32 v3, v2;
	(pc) =	sbr.rel @p1 .LBB2_18-.Ltmp8, $4  }
0xba: {  	v2 =	vld [tilespmem:s9+$0x2400]  }
0xbb: {  	v0 =	vadd.f32 v3, v0  }
0xbc: {  	s7 =	sadd.s32 $0x10, s7  }
0xbd: {  	p0 =	slt.u32 s7, $0x186A0  }
0xbe: {  	_ =	swait.ge [sflag:s8], $0x80  }
0xbf: {  	v1 =	vpsel !p0, $0x0, v1;
	[sflag:s8] =	ssyncset.done $0x0  }
0xc0: {  	s7 =	simm.s32 $0x0;
	v2 =	vmul.f32 v1, v2;
	[sflag:s8] =	ssyncadd.s32 $0xFFFFFF80  }
0xc1: {  	v1 =	vld [tilespmem:s7+$0x1480]  }
0xc2: {  	v0 =	vadd.f32 v2, v0;
	v2 =	vld [tilespmem:s7+$0x2480];
	_ =	sdelay $0x2  }
0xc3: {  	s4 =	simm.s32 $0x40;
	p0 =	slt.u32 s17, $0x186A0;
	s7 =	smov.u32 s17  }
.LBB2_20:
0xc4: {  	s9 =	sshra.s32 s4, $0x2;
	p1 =	sne.s32 s4, $0x1C0;
	s4 =	sadd.s32 $0x40, s4;
	v3 =	vpsel !p0, $0x0, v1  }
.Ltmp9:
0xc5: {  	v1 =	vld [tilespmem:s9+$0x1480];
	v3 =	vmul.f32 v3, v2;
	(pc) =	sbr.rel @p1 .LBB2_20-.Ltmp9, $4  }
0xc6: {  	v2 =	vld [tilespmem:s9+$0x2480]  }
0xc7: {  	v0 =	vadd.f32 v3, v0  }
0xc8: {  	s7 =	sadd.s32 $0x10, s7  }
0xc9: {  	p0 =	slt.u32 s7, $0x186A0  }
0xca: {  	_ =	swait.ge [sflag:s8], $0x80  }
0xcb: {  	v1 =	vpsel !p0, $0x0, v1;
	[sflag:s8] =	ssyncset.done $0x0  }
0xcc: {  	s7 =	simm.s32 $0x0;
	v2 =	vmul.f32 v1, v2;
	[sflag:s8] =	ssyncadd.s32 $0xFFFFFF80  }
0xcd: {  	v1 =	vld [tilespmem:s7+$0x1500]  }
0xce: {  	v0 =	vadd.f32 v2, v0;
	v2 =	vld [tilespmem:s7+$0x2500];
	_ =	sdelay $0x2  }
0xcf: {  	s4 =	simm.s32 $0x40;
	p0 =	slt.u32 s18, $0x186A0;
	s7 =	smov.u32 s18  }
.LBB2_22:
0xd0: {  	s9 =	sshra.s32 s4, $0x2;
	p1 =	sne.s32 s4, $0x1C0;
	s4 =	sadd.s32 $0x40, s4;
	v3 =	vpsel !p0, $0x0, v1  }
.Ltmp10:
0xd1: {  	v1 =	vld [tilespmem:s9+$0x1500];
	v3 =	vmul.f32 v3, v2;
	(pc) =	sbr.rel @p1 .LBB2_22-.Ltmp10, $4  }
0xd2: {  	v2 =	vld [tilespmem:s9+$0x2500]  }
0xd3: {  	v0 =	vadd.f32 v3, v0  }
0xd4: {  	s7 =	sadd.s32 $0x10, s7  }
0xd5: {  	p0 =	slt.u32 s7, $0x186A0  }
0xd6: {  	_ =	swait.ge [sflag:s8], $0x80  }
0xd7: {  	v1 =	vpsel !p0, $0x0, v1;
	[sflag:s8] =	ssyncset.done $0x0  }
0xd8: {  	s7 =	simm.s32 $0x0;
	v2 =	vmul.f32 v1, v2;
	[sflag:s8] =	ssyncadd.s32 $0xFFFFFF80  }
0xd9: {  	v1 =	vld [tilespmem:s7+$0x1580]  }
0xda: {  	v0 =	vadd.f32 v2, v0;
	v2 =	vld [tilespmem:s7+$0x2580];
	_ =	sdelay $0x2  }
0xdb: {  	s4 =	simm.s32 $0x40;
	p0 =	slt.u32 s19, $0x186A0;
	s7 =	smov.u32 s19  }
.LBB2_24:
0xdc: {  	s9 =	sshra.s32 s4, $0x2;
	p1 =	sne.s32 s4, $0x1C0;
	s4 =	sadd.s32 $0x40, s4;
	v3 =	vpsel !p0, $0x0, v1  }
.Ltmp11:
0xdd: {  	v1 =	vld [tilespmem:s9+$0x1580];
	v3 =	vmul.f32 v3, v2;
	(pc) =	sbr.rel @p1 .LBB2_24-.Ltmp11, $4  }
0xde: {  	v2 =	vld [tilespmem:s9+$0x2580]  }
0xdf: {  	v0 =	vadd.f32 v3, v0  }
0xe0: {  	s7 =	sadd.s32 $0x10, s7  }
0xe1: {  	p0 =	slt.u32 s7, $0x186A0  }
0xe2: {  	_ =	swait.ge [sflag:s8], $0x80  }
0xe3: {  	v1 =	vpsel !p0, $0x0, v1;
	[sflag:s8] =	ssyncset.done $0x0  }
0xe4: {  	s7 =	simm.s32 $0x0;
	v2 =	vmul.f32 v1, v2;
	[sflag:s8] =	ssyncadd.s32 $0xFFFFFF80  }
0xe5: {  	v1 =	vld [tilespmem:s7+$0x1600]  }
0xe6: {  	v0 =	vadd.f32 v2, v0;
	v2 =	vld [tilespmem:s7+$0x2600];
	_ =	sdelay $0x2  }
0xe7: {  	s4 =	simm.s32 $0x40;
	p0 =	slt.u32 s20, $0x186A0;
	s7 =	smov.u32 s20  }
.LBB2_26:
0xe8: {  	s9 =	sshra.s32 s4, $0x2;
	p1 =	sne.s32 s4, $0x1C0;
	s4 =	sadd.s32 $0x40, s4;
	v3 =	vpsel !p0, $0x0, v1  }
.Ltmp12:
0xe9: {  	v1 =	vld [tilespmem:s9+$0x1600];
	v3 =	vmul.f32 v3, v2;
	(pc) =	sbr.rel @p1 .LBB2_26-.Ltmp12, $4  }
0xea: {  	v2 =	vld [tilespmem:s9+$0x2600]  }
0xeb: {  	v0 =	vadd.f32 v3, v0  }
0xec: {  	s7 =	sadd.s32 $0x10, s7  }
0xed: {  	p0 =	slt.u32 s7, $0x186A0  }
0xee: {  	_ =	swait.ge [sflag:s8], $0x80  }
0xef: {  	v1 =	vpsel !p0, $0x0, v1;
	[sflag:s8] =	ssyncset.done $0x0  }
0xf0: {  	s7 =	simm.s32 $0x0;
	v2 =	vmul.f32 v1, v2;
	[sflag:s8] =	ssyncadd.s32 $0xFFFFFF80  }
0xf1: {  	v1 =	vld [tilespmem:s7+$0x1680]  }
0xf2: {  	v0 =	vadd.f32 v2, v0;
	v2 =	vld [tilespmem:s7+$0x2680];
	_ =	sdelay $0x2  }
0xf3: {  	s4 =	simm.s32 $0x40;
	p0 =	slt.u32 s21, $0x186A0;
	s7 =	smov.u32 s21  }
.LBB2_28:
0xf4: {  	s9 =	sshra.s32 s4, $0x2;
	p1 =	sne.s32 s4, $0x1C0;
	s4 =	sadd.s32 $0x40, s4;
	v3 =	vpsel !p0, $0x0, v1  }
.Ltmp13:
0xf5: {  	v1 =	vld [tilespmem:s9+$0x1680];
	v3 =	vmul.f32 v3, v2;
	(pc) =	sbr.rel @p1 .LBB2_28-.Ltmp13, $4  }
0xf6: {  	v2 =	vld [tilespmem:s9+$0x2680]  }
0xf7: {  	v0 =	vadd.f32 v3, v0  }
0xf8: {  	s7 =	sadd.s32 $0x10, s7  }
0xf9: {  	p0 =	slt.u32 s7, $0x186A0  }
0xfa: {  	_ =	swait.ge [sflag:s8], $0x80  }
0xfb: {  	v1 =	vpsel !p0, $0x0, v1;
	[sflag:s8] =	ssyncset.done $0x0  }
0xfc: {  	s7 =	simm.s32 $0x0;
	v2 =	vmul.f32 v1, v2;
	[sflag:s8] =	ssyncadd.s32 $0xFFFFFF80  }
0xfd: {  	v1 =	vld [tilespmem:s7+$0x1700]  }
0xfe: {  	v0 =	vadd.f32 v2, v0;
	v2 =	vld [tilespmem:s7+$0x2700];
	_ =	sdelay $0x2  }
0xff: {  	s4 =	simm.s32 $0x40;
	p0 =	slt.u32 s22, $0x186A0;
	s7 =	smov.u32 s22  }
.LBB2_30:
0x100: {  	s9 =	sshra.s32 s4, $0x2;
	p1 =	sne.s32 s4, $0x1C0;
	s4 =	sadd.s32 $0x40, s4;
	v3 =	vpsel !p0, $0x0, v1  }
.Ltmp14:
0x101: {  	v1 =	vld [tilespmem:s9+$0x1700];
	v3 =	vmul.f32 v3, v2;
	(pc) =	sbr.rel @p1 .LBB2_30-.Ltmp14, $4  }
0x102: {  	v2 =	vld [tilespmem:s9+$0x2700]  }
0x103: {  	v0 =	vadd.f32 v3, v0  }
0x104: {  	s7 =	sadd.s32 $0x10, s7  }
0x105: {  	p0 =	slt.u32 s7, $0x186A0  }
0x106: {  	_ =	swait.ge [sflag:s8], $0x80  }
0x107: {  	v1 =	vpsel !p0, $0x0, v1;
	[sflag:s8] =	ssyncset.done $0x0  }
0x108: {  	s7 =	simm.s32 $0x0;
	v2 =	vmul.f32 v1, v2;
	[sflag:s8] =	ssyncadd.s32 $0xFFFFFF80  }
0x109: {  	v1 =	vld [tilespmem:s7+$0x1780]  }
0x10a: {  	v0 =	vadd.f32 v2, v0;
	v2 =	vld [tilespmem:s7+$0x2780];
	_ =	sdelay $0x2  }
0x10b: {  	s4 =	simm.s32 $0x40;
	p0 =	slt.u32 s23, $0x186A0;
	s7 =	smov.u32 s23  }
.LBB2_32:
0x10c: {  	s9 =	sshra.s32 s4, $0x2;
	p1 =	sne.s32 s4, $0x1C0;
	s4 =	sadd.s32 $0x40, s4;
	v3 =	vpsel !p0, $0x0, v1  }
.Ltmp15:
0x10d: {  	v1 =	vld [tilespmem:s9+$0x1780];
	v3 =	vmul.f32 v3, v2;
	(pc) =	sbr.rel @p1 .LBB2_32-.Ltmp15, $4  }
0x10e: {  	v2 =	vld [tilespmem:s9+$0x2780]  }
0x10f: {  	v0 =	vadd.f32 v3, v0  }
0x110: {  	s7 =	sadd.s32 $0x10, s7  }
0x111: {  	p0 =	slt.u32 s7, $0x186A0  }
0x112: {  	_ =	swait.ge [sflag:s8], $0x80  }
0x113: {  	v1 =	vpsel !p0, $0x0, v1;
	[sflag:s8] =	ssyncset.done $0x0  }
0x114: {  	s7 =	simm.s32 $0x0;
	v2 =	vmul.f32 v1, v2;
	[sflag:s8] =	ssyncadd.s32 $0xFFFFFF80  }
0x115: {  	v1 =	vld [tilespmem:s7+$0x1800]  }
0x116: {  	v0 =	vadd.f32 v2, v0;
	v2 =	vld [tilespmem:s7+$0x2800];
	_ =	sdelay $0x2  }
0x117: {  	s4 =	simm.s32 $0x40;
	p0 =	slt.u32 s24, $0x186A0;
	s7 =	smov.u32 s24  }
.LBB2_34:
0x118: {  	s9 =	sshra.s32 s4, $0x2;
	p1 =	sne.s32 s4, $0x1C0;
	s4 =	sadd.s32 $0x40, s4;
	v3 =	vpsel !p0, $0x0, v1  }
.Ltmp16:
0x119: {  	v1 =	vld [tilespmem:s9+$0x1800];
	v3 =	vmul.f32 v3, v2;
	(pc) =	sbr.rel @p1 .LBB2_34-.Ltmp16, $4  }
0x11a: {  	v2 =	vld [tilespmem:s9+$0x2800]  }
0x11b: {  	v0 =	vadd.f32 v3, v0  }
0x11c: {  	s7 =	sadd.s32 $0x10, s7  }
0x11d: {  	p0 =	slt.u32 s7, $0x186A0  }
0x11e: {  	_ =	swait.ge [sflag:s8], $0x80  }
0x11f: {  	v1 =	vpsel !p0, $0x0, v1;
	[sflag:s8] =	ssyncset.done $0x0  }
0x120: {  	s7 =	simm.s32 $0x0;
	v2 =	vmul.f32 v1, v2;
	[sflag:s8] =	ssyncadd.s32 $0xFFFFFF80  }
0x121: {  	v1 =	vld [tilespmem:s7+$0x1880]  }
0x122: {  	v0 =	vadd.f32 v2, v0;
	v2 =	vld [tilespmem:s7+$0x2880];
	_ =	sdelay $0x2  }
0x123: {  	s4 =	simm.s32 $0x40;
	p0 =	slt.u32 s25, $0x186A0;
	s7 =	smov.u32 s25  }
.LBB2_36:
0x124: {  	s9 =	sshra.s32 s4, $0x2;
	p1 =	sne.s32 s4, $0x1C0;
	s4 =	sadd.s32 $0x40, s4;
	v3 =	vpsel !p0, $0x0, v1  }
.Ltmp17:
0x125: {  	v1 =	vld [tilespmem:s9+$0x1880];
	v3 =	vmul.f32 v3, v2;
	(pc) =	sbr.rel @p1 .LBB2_36-.Ltmp17, $4  }
0x126: {  	v2 =	vld [tilespmem:s9+$0x2880]  }
0x127: {  	v0 =	vadd.f32 v3, v0  }
0x128: {  	s7 =	sadd.s32 $0x10, s7  }
0x129: {  	p0 =	slt.u32 s7, $0x186A0  }
0x12a: {  	_ =	swait.ge [sflag:s8], $0x80  }
0x12b: {  	v1 =	vpsel !p0, $0x0, v1;
	[sflag:s8] =	ssyncset.done $0x0  }
0x12c: {  	s7 =	simm.s32 $0x0;
	v2 =	vmul.f32 v1, v2;
	[sflag:s8] =	ssyncadd.s32 $0xFFFFFF80  }
0x12d: {  	v1 =	vld [tilespmem:s7+$0x1900]  }
0x12e: {  	v0 =	vadd.f32 v2, v0;
	v2 =	vld [tilespmem:s7+$0x2900];
	_ =	sdelay $0x2  }
0x12f: {  	s4 =	simm.s32 $0x40;
	p0 =	slt.u32 s26, $0x186A0;
	s7 =	smov.u32 s26  }
.LBB2_38:
0x130: {  	s9 =	sshra.s32 s4, $0x2;
	p1 =	sne.s32 s4, $0x1C0;
	s4 =	sadd.s32 $0x40, s4;
	v3 =	vpsel !p0, $0x0, v1  }
.Ltmp18:
0x131: {  	v1 =	vld [tilespmem:s9+$0x1900];
	v3 =	vmul.f32 v3, v2;
	(pc) =	sbr.rel @p1 .LBB2_38-.Ltmp18, $4  }
0x132: {  	v2 =	vld [tilespmem:s9+$0x2900]  }
0x133: {  	v0 =	vadd.f32 v3, v0  }
0x134: {  	s7 =	sadd.s32 $0x10, s7  }
0x135: {  	p0 =	slt.u32 s7, $0x186A0  }
0x136: {  	_ =	swait.ge [sflag:s8], $0x80  }
0x137: {  	v1 =	vpsel !p0, $0x0, v1;
	[sflag:s8] =	ssyncset.done $0x0  }
0x138: {  	s7 =	simm.s32 $0x0;
	v2 =	vmul.f32 v1, v2;
	[sflag:s8] =	ssyncadd.s32 $0xFFFFFF80  }
0x139: {  	v1 =	vld [tilespmem:s7+$0x1980]  }
0x13a: {  	v0 =	vadd.f32 v2, v0;
	v2 =	vld [tilespmem:s7+$0x2980];
	_ =	sdelay $0x2  }
0x13b: {  	s4 =	simm.s32 $0x40;
	p0 =	slt.u32 s28, $0x186A0;
	s7 =	smov.u32 s28  }
.LBB2_40:
0x13c: {  	s9 =	sshra.s32 s4, $0x2;
	p1 =	sne.s32 s4, $0x1C0;
	s4 =	sadd.s32 $0x40, s4;
	v3 =	vpsel !p0, $0x0, v1  }
.Ltmp19:
0x13d: {  	v1 =	vld [tilespmem:s9+$0x1980];
	v3 =	vmul.f32 v3, v2;
	(pc) =	sbr.rel @p1 .LBB2_40-.Ltmp19, $4  }
0x13e: {  	v2 =	vld [tilespmem:s9+$0x2980]  }
0x13f: {  	v0 =	vadd.f32 v3, v0  }
0x140: {  	s7 =	sadd.s32 $0x10, s7  }
0x141: {  	p0 =	slt.u32 s7, $0x186A0  }
0x142: {  	_ =	swait.ge [sflag:s8], $0x80  }
0x143: {  	v1 =	vpsel !p0, $0x0, v1;
	[sflag:s8] =	ssyncset.done $0x0  }
0x144: {  	s7 =	simm.s32 $0x0;
	v2 =	vmul.f32 v1, v2;
	[sflag:s8] =	ssyncadd.s32 $0xFFFFFF80  }
0x145: {  	v1 =	vld [tilespmem:s7+$0x1A00]  }
0x146: {  	v0 =	vadd.f32 v2, v0;
	v2 =	vld [tilespmem:s7+$0x2A00];
	_ =	sdelay $0x2  }
0x147: {  	s4 =	simm.s32 $0x40;
	p0 =	slt.u32 s29, $0x186A0;
	s7 =	smov.u32 s29  }
.LBB2_42:
0x148: {  	s9 =	sshra.s32 s4, $0x2;
	p1 =	sne.s32 s4, $0x1C0;
	s4 =	sadd.s32 $0x40, s4;
	v3 =	vpsel !p0, $0x0, v1  }
.Ltmp20:
0x149: {  	v1 =	vld [tilespmem:s9+$0x1A00];
	v3 =	vmul.f32 v3, v2;
	(pc) =	sbr.rel @p1 .LBB2_42-.Ltmp20, $4  }
0x14a: {  	v2 =	vld [tilespmem:s9+$0x2A00]  }
0x14b: {  	v0 =	vadd.f32 v3, v0  }
0x14c: {  	s7 =	sadd.s32 $0x10, s7  }
0x14d: {  	p0 =	slt.u32 s7, $0x186A0  }
0x14e: {  	_ =	swait.ge [sflag:s8], $0x80  }
0x14f: {  	v1 =	vpsel !p0, $0x0, v1;
	[sflag:s8] =	ssyncset.done $0x0  }
0x150: {  	s7 =	simm.s32 $0x0;
	v2 =	vmul.f32 v1, v2;
	[sflag:s8] =	ssyncadd.s32 $0xFFFFFF80  }
0x151: {  	v1 =	vld [tilespmem:s7+$0x1A80]  }
0x152: {  	v0 =	vadd.f32 v2, v0;
	v2 =	vld [tilespmem:s7+$0x2A80];
	_ =	sdelay $0x2  }
0x153: {  	s4 =	simm.s32 $0x40;
	p0 =	slt.u32 s30, $0x186A0;
	s7 =	smov.u32 s30  }
.LBB2_44:
0x154: {  	s9 =	sshra.s32 s4, $0x2;
	p1 =	sne.s32 s4, $0x1C0;
	s4 =	sadd.s32 $0x40, s4;
	v3 =	vpsel !p0, $0x0, v1  }
.Ltmp21:
0x155: {  	v1 =	vld [tilespmem:s9+$0x1A80];
	v3 =	vmul.f32 v3, v2;
	(pc) =	sbr.rel @p1 .LBB2_44-.Ltmp21, $4  }
0x156: {  	v2 =	vld [tilespmem:s9+$0x2A80]  }
0x157: {  	v0 =	vadd.f32 v3, v0  }
0x158: {  	s7 =	sadd.s32 $0x10, s7  }
0x159: {  	p0 =	slt.u32 s7, $0x186A0  }
0x15a: {  	_ =	swait.ge [sflag:s8], $0x80  }
0x15b: {  	v1 =	vpsel !p0, $0x0, v1;
	[sflag:s8] =	ssyncset.done $0x0  }
0x15c: {  	s7 =	simm.s32 $0x0;
	v2 =	vmul.f32 v1, v2;
	[sflag:s8] =	ssyncadd.s32 $0xFFFFFF80  }
0x15d: {  	v1 =	vld [tilespmem:s7+$0x1B00]  }
0x15e: {  	v0 =	vadd.f32 v2, v0;
	v2 =	vld [tilespmem:s7+$0x2B00];
	_ =	sdelay $0x2  }
0x15f: {  	s4 =	simm.s32 $0x40;
	p0 =	slt.u32 s31, $0x186A0;
	s7 =	smov.u32 s31  }
.LBB2_46:
0x160: {  	s9 =	sshra.s32 s4, $0x2;
	p1 =	sne.s32 s4, $0x1C0;
	s4 =	sadd.s32 $0x40, s4;
	v3 =	vpsel !p0, $0x0, v1  }
.Ltmp22:
0x161: {  	v1 =	vld [tilespmem:s9+$0x1B00];
	v3 =	vmul.f32 v3, v2;
	(pc) =	sbr.rel @p1 .LBB2_46-.Ltmp22, $4  }
0x162: {  	v2 =	vld [tilespmem:s9+$0x2B00]  }
0x163: {  	v0 =	vadd.f32 v3, v0  }
0x164: {  	s7 =	sadd.s32 $0x10, s7  }
0x165: {  	p0 =	slt.u32 s7, $0x186A0  }
0x166: {  	_ =	swait.ge [sflag:s8], $0x80  }
0x167: {  	v1 =	vpsel !p0, $0x0, v1;
	[sflag:s8] =	ssyncset.done $0x0  }
0x168: {  	s7 =	simm.s32 $0x0;
	v2 =	vmul.f32 v1, v2;
	[sflag:s8] =	ssyncadd.s32 $0xFFFFFF80  }
0x169: {  	v1 =	vld [tilespmem:s7+$0x1B80]  }
0x16a: {  	v0 =	vadd.f32 v2, v0;
	v2 =	vld [tilespmem:s7+$0x2B80];
	_ =	sdelay $0x2  }
0x16b: {  	s4 =	simm.s32 $0x40;
	p0 =	slt.u32 s1, $0x186A0;
	s7 =	smov.u32 s1  }
.LBB2_48:
0x16c: {  	s9 =	sshra.s32 s4, $0x2;
	p1 =	sne.s32 s4, $0x1C0;
	s4 =	sadd.s32 $0x40, s4;
	v3 =	vpsel !p0, $0x0, v1  }
.Ltmp23:
0x16d: {  	v1 =	vld [tilespmem:s9+$0x1B80];
	v3 =	vmul.f32 v3, v2;
	(pc) =	sbr.rel @p1 .LBB2_48-.Ltmp23, $4  }
0x16e: {  	v2 =	vld [tilespmem:s9+$0x2B80]  }
0x16f: {  	v0 =	vadd.f32 v3, v0  }
0x170: {  	s7 =	sadd.s32 $0x10, s7  }
0x171: {  	p0 =	slt.u32 s7, $0x186A0  }
0x172: {  	_ =	swait.ge [sflag:s8], $0x80  }
0x173: {  	v1 =	vpsel !p0, $0x0, v1;
	[sflag:s8] =	ssyncset.done $0x0  }
0x174: {  	s7 =	simm.s32 $0x0;
	v2 =	vmul.f32 v1, v2;
	[sflag:s8] =	ssyncadd.s32 $0xFFFFFF80  }
0x175: {  	v1 =	vld [tilespmem:s7+$0x1C00]  }
0x176: {  	v0 =	vadd.f32 v2, v0;
	v2 =	vld [tilespmem:s7+$0x2C00];
	_ =	sdelay $0x2  }
0x177: {  	s4 =	simm.s32 $0x40;
	p0 =	slt.u32 s0, $0x186A0;
	s7 =	smov.u32 s0  }
.LBB2_50:
0x178: {  	s9 =	sshra.s32 s4, $0x2;
	p1 =	sne.s32 s4, $0x1C0;
	s4 =	sadd.s32 $0x40, s4;
	v3 =	vpsel !p0, $0x0, v1  }
.Ltmp24:
0x179: {  	v1 =	vld [tilespmem:s9+$0x1C00];
	v3 =	vmul.f32 v3, v2;
	(pc) =	sbr.rel @p1 .LBB2_50-.Ltmp24, $4  }
0x17a: {  	v2 =	vld [tilespmem:s9+$0x2C00]  }
0x17b: {  	v0 =	vadd.f32 v3, v0  }
0x17c: {  	s7 =	sadd.s32 $0x10, s7  }
0x17d: {  	p0 =	slt.u32 s7, $0x186A0  }
0x17e: {  	v1 =	vpsel !p0, $0x0, v1  }
0x17f: {  	v1 =	vmul.f32 v1, v2;
	_ =	sdelay $0x1  }
0x180: {  	v0 =	vadd.f32 v1, v0;
	_ =	sdelay $0x1  }
0x181: {  	s9 =	simm.s32 $0x0;
	s4 =	rddreg [dreg:$0x4];
	s7 =	simm.s32 $0x3000;
	[tilespmem:$0x3000] =	vst v0  }
0x182: {  	[hbm4b:s4+s9] =	stream.linear.scatter [tilespmem:s7], [sflag:$0x4], $0x80, $0x38;
	[tilespmem:$0x3080] =	vst v63  }
0x183: {  	s7 =	simm.s32 $0x4  }
0x184: {  	_ =	swait.ge [sflag:s7], $0x80  }
0x185: {  	s6 =	sadd.s32 $0x1, s6;
	s4 =	rddreg [dreg:$0x5]  }
0x186: {  	p0 =	sne.s32 s6, s4  }
.Ltmp25:
0x187: {  	_ = 	snop;
	(pc) =	sbr.rel @p0 .LBB2_1-.Ltmp25, $3  }
0x188: {  	_ =	sdelay $0x1  }
0x189: {  	[sflag:s7] =	ssyncset.done $0x0  }
0x18a: {  	[sflag:s7] =	ssyncadd.s32 $0xFFFFFF80  }
0x18b: {  	_ =	sfence.sel $0x180000  }
0x18c: {  	[bflag:$0x0] =	sbarrier.arrive $0xFFFF  }
0x18d: {  	_ =	strace $0x90000047  }
0x18e: {  	s0 =	stileid.u32;
	[bflag:$0x2] =	sbarrier.arrive $0xFFFF  }
0x18f: {  	p0 =	sne.s32 s0, $0x0;
	s0 =	rddreg [dreg:$0x1]  }
0x190: {  	s0 =	sadd.s32 @!p0 $0x100000, s0  }
0x191: {  	[sflag:s0] =	ssyncadd.tile.s32 @!p0 $0x1;
	_ =	shalt  }
.Lfunc_end2:
_tile_overlayer_lowered:
.L_overlay_start_2:
0x192: {  	(tag) =	ssettag $0x2  }
0x193: {  	s0 =	rddreg [dreg:$0x0];
	s2 =	stileid.u32  }
0x194: {  	s1 =	rddreg [dreg:$0x1];
	p0 =	sne.s32 s2, $0x0  }
0x195: {  	s3 =	rddreg [dreg:$0x2];
	[bflag:$0x3] =	sbarrier.arrive $0xFFFF;
	s2 =	simm.s32 @!p0 $0x1C04  }
0x196: {  	[timem:s3], [sflag:s2] =	dma.local @!p0 [hbm:s0], s1  }
0x197: {  	s0 =	simm.s32 @!p0 $0x4  }
0x198: {  	_ =	swait.ge @!p0 [sflag:s0], s1  }
0x199: {  	s1 =	ssub.s32 @!p0 $0x0, s1;
	[sflag:s0] =	ssyncset.done @!p0 $0x0  }
0x19a: {  	[sflag:s0] =	ssyncadd.s32 @!p0 s1  }
0x19b: {  	[bflag:$0x3] =	sbarrier.arrive $0xFFFF  }
0x19c: {  	_ =	shalt  }

</sc_bundles>
